<compile_context>
chip_gen: v7x
topology: tpu7x:2x2x1
jax: 0.10.2.dev20260603
libtpu: 0.0.44.dev20260713+nightly
codegen_flags: <defaults>
</compile_context>

<pallas_src>
import functools

import jax
import jax.numpy as jnp
from jax import lax
from jax.experimental import pallas as pl
from jax.experimental.pallas import tpu as pltpu
from jax.experimental.pallas import tpu_sc as plsc

_NUM_CORES = 2
_NUM_SUBCORES = 16
_NW = _NUM_CORES * _NUM_SUBCORES
_LANES = 16
_NBUF = 4


def _avg_pool_sc(instances, table, batch, hist, dim):
    spw = batch // _NW
    sblk = 128
    nblk = spw // sblk
    inv_l = float(1.0 / hist)

    mesh = plsc.VectorSubcoreMesh(core_axis_name="c", subcore_axis_name="s")

    @functools.partial(
        pl.kernel,
        mesh=mesh,
        compiler_params=pltpu.CompilerParams(use_tc_tiling_on_sc=False),
        out_type=jax.ShapeDtypeStruct((batch, dim), jnp.float32),
        scratch_types=(
            [pltpu.VMEM((sblk, hist), jnp.int32)]
            + [pltpu.VMEM((hist, dim), jnp.float32)
               for _ in range(_NBUF)]
            + [pltpu.VMEM((spw, dim), jnp.float32)]
            + [pltpu.SemaphoreType.DMA for _ in range(_NBUF)]
        ),
    )
    def k(idx_hbm, table_hbm, out_hbm, idx_v, *rest):
        rows = rest[:_NBUF]
        out_v = rest[_NBUF]
        sems = rest[_NBUF + 1:]
        wid = lax.axis_index("s") * _NUM_CORES + lax.axis_index("c")
        base = wid * spw

        def gather_start(buf, sem, s_in_blk):
            pltpu.make_async_copy(
                table_hbm.at[idx_v.at[s_in_blk]], buf, sem).start()

        def gather_wait(buf, sem):
            pltpu.make_async_copy(
                table_hbm.at[idx_v.at[0]], buf, sem).wait()

        def reduce_sample(buf, s_out):
            zero = jnp.zeros((_LANES,), jnp.float32)

            def tree8(vals):
                s01, s23 = vals[0] + vals[1], vals[2] + vals[3]
                s45, s67 = vals[4] + vals[5], vals[6] + vals[7]
                return (s01 + s23) + (s45 + s67)

            def body(i, accs):
                lo, hi = accs
                r = i * 8
                tl = [buf[r + j, pl.ds(0, _LANES)] for j in range(8)]
                th = [buf[r + j, pl.ds(_LANES, _LANES)] for j in range(8)]
                return lo + tree8(tl), hi + tree8(th)

            lo, hi = lax.fori_loop(0, hist // 8, body, (zero, zero))
            out_v[s_out, pl.ds(0, _LANES)] = lo * inv_l
            out_v[s_out, pl.ds(_LANES, _LANES)] = hi * inv_l

        @pl.loop(0, nblk)
        def _blk(blk):
            blk_sample = base + blk * sblk
            pltpu.sync_copy(
                idx_hbm.at[pl.ds(blk_sample, sblk), :], idx_v)
            for j in range(_NBUF - 1):
                gather_start(rows[j], sems[j], j)

            @pl.loop(0, sblk, step=_NBUF)
            def _s(s0):
                for j in range(_NBUF):
                    s = s0 + j
                    gather_wait(rows[j], sems[j])
                    reduce_sample(rows[j], blk * sblk + s)
                    jn = (j + _NBUF - 1) % _NBUF

                    @pl.when(s + _NBUF - 1 < sblk)
                    def _():
                        gather_start(rows[jn], sems[jn], s + _NBUF - 1)

        pltpu.sync_copy(out_v, out_hbm.at[pl.ds(base, spw), :])

    return k(instances, table)


def kernel(instances, table):
    batch, hist = instances.shape
    _, dim = table.shape
    return _avg_pool_sc(instances.astype(jnp.int32), table, batch, hist, dim)

# --- scband reference (transcript-rebuilt; emitter-appended) ---
"""Pipeline reference for scband-avg-pool-68143951118824 (READ-ONLY COPY).

The authoritative reference and input builder live on the scoring server;
editing this copy changes nothing except your own understanding.
"""

import jax, jax.numpy as jnp
import numpy as np

NUM_EMBEDDINGS = 1000000
EMBED_DIM = 32
BATCH = 16384
HIST = 200

def setup_inputs(seed: int = 0) -> dict:
    key = jax.random.key(seed)
    k_idx, k_tab = jax.random.split(key)
    instances = jax.random.randint(k_idx, (BATCH, HIST), 0, NUM_EMBEDDINGS, dtype=jnp.int64 if jax.config.jax_enable_x64 else jnp.int32)
    table = jax.random.normal(k_tab, (NUM_EMBEDDINGS, EMBED_DIM), dtype=jnp.float32) * 0.02
    return {"instances": instances, "table": table}

def reference(instances, table):
    # AvgPool.forward: representations = E(instances); return representations.mean(axis=1).float()
    representations = jnp.take(table, instances, axis=0)  # [B, L, D]
    return representations.mean(axis=1).astype(jnp.float32)  # [B, D]

if __name__ == "__main__":
    import jax
    _d = setup_inputs()
    print(jax.jit(kernel)(*tuple(_d.values())))

</pallas_src>

<mosaic_0001>
#map = affine_map<(d0, d1) -> (0, 0)>
module attributes {stable_mosaic.version = 14 : i64} {
  func.func @k(%arg0: i32, %arg1: i32, %arg2: memref<16384x200xi32, #tpu.memory_space<hbm>>, %arg3: memref<1000000x32xf32, #tpu.memory_space<hbm>>, %arg4: memref<16384x32xf32, #tpu.memory_space<hbm>>, %arg5: memref<128x200xi32, #tpu.memory_space<vmem>>, %arg6: memref<200x32xf32, #tpu.memory_space<vmem>>, %arg7: memref<200x32xf32, #tpu.memory_space<vmem>>, %arg8: memref<200x32xf32, #tpu.memory_space<vmem>>, %arg9: memref<200x32xf32, #tpu.memory_space<vmem>>, %arg10: memref<512x32xf32, #tpu.memory_space<vmem>>, %arg11: memref<!tpu.dma_semaphore, #tpu.memory_space<semaphore_mem>>, %arg12: memref<!tpu.dma_semaphore, #tpu.memory_space<semaphore_mem>>, %arg13: memref<!tpu.dma_semaphore, #tpu.memory_space<semaphore_mem>>, %arg14: memref<!tpu.dma_semaphore, #tpu.memory_space<semaphore_mem>>) attributes {dimension_semantics = [#tpu.dimension_semantics<core_parallel>, #tpu.dimension_semantics<subcore_parallel>], iteration_bounds = array<i64: 2, 16>, scalar_prefetch = 0 : i64, scratch_operands = 10 : i64, tpu.core_type = #tpu.core_type<sc_vector_subcore>, window_params = [{transform_indices = #map}, {transform_indices = #map}, {transform_indices = #map}]} {
    %mul3A = arith.constant 2 : i32
    %mul3A_0 = arith.muli %arg1, %mul3A : i32
    %add3A = arith.addi %mul3A_0, %arg0 : i32
    %mul3A_1 = arith.constant 512 : i32
    %mul3A_2 = arith.muli %add3A, %mul3A_1 : i32
    %scan3A = arith.constant 0 : i32
    %scan3A_3 = arith.constant 4 : i32
    %scan3A_4 = arith.addi %scan3A, %scan3A_3 : i32
    %scan3A_5 = arith.constant 1 : i32
    scf.for %scan3A_7 = %scan3A to %scan3A_4 step %scan3A_5  : i32 {
      %mul3A_8 = arith.constant 1 : i32
      %mul3A_9 = arith.muli %scan3A_7, %mul3A_8 : i32
      %add3A_10 = arith.constant 0 : i32
      %add3A_11 = arith.addi %add3A_10, %mul3A_9 : i32
      %mul3A_12 = arith.constant 128 : i32
      %mul3A_13 = arith.muli %add3A_11, %mul3A_12 : i32
      %add3A_14 = arith.addi %mul3A_2, %mul3A_13 : i32
      "tpu.region"() ({
        %run_scoped3A = tpu.sem_alloc : memref<!tpu.dma_semaphore, #tpu.memory_space<semaphore_mem>>
        %dma_start3A_40 = arith.constant 0 : i32
        %dma_start3A_41 = tpu.memref_slice %arg2[%add3A_14, %dma_start3A_40] : memref<16384x200xi32, #tpu.memory_space<hbm>> -> memref<128x200xi32, #tpu.memory_space<hbm>>
        %dma_start3A_42 = arith.constant 0 : i32
        %dma_start3A_43 = tpu.memref_slice %arg2[%add3A_14, %dma_start3A_42] : memref<16384x200xi32, #tpu.memory_space<hbm>> -> memref<128x200xi32, #tpu.memory_space<hbm>>
        tpu.enqueue_dma source(%dma_start3A_43 : memref<128x200xi32, #tpu.memory_space<hbm>>) target(%arg5 : memref<128x200xi32, #tpu.memory_space<vmem>>) target_semaphore(%run_scoped3A : memref<!tpu.dma_semaphore, #tpu.memory_space<semaphore_mem>>)
        %dma_wait3A = arith.constant 0 : i32
        %dma_wait3A_44 = tpu.memref_slice %arg2[%add3A_14, %dma_wait3A] : memref<16384x200xi32, #tpu.memory_space<hbm>> -> memref<128x200xi32, #tpu.memory_space<hbm>>
        %dma_wait3A_45 = arith.constant 0 : i32
        %dma_wait3A_46 = tpu.memref_slice %arg2[%add3A_14, %dma_wait3A_45] : memref<16384x200xi32, #tpu.memory_space<hbm>> -> memref<128x200xi32, #tpu.memory_space<hbm>>
        tpu.wait_dma2 semaphore(%run_scoped3A : memref<!tpu.dma_semaphore, #tpu.memory_space<semaphore_mem>>) src(%dma_wait3A_46 : memref<128x200xi32, #tpu.memory_space<hbm>>) dst(%arg5 : memref<128x200xi32, #tpu.memory_space<vmem>>)
        tpu.yield
      }) : () -> ()
      %dma_start3A = arith.constant 0 : i32
      %dma_start3A_15 = arith.constant 0 : i32
      %dma_start3A_16 = tpu.memref_slice %arg5[%dma_start3A, %dma_start3A_15] : memref<128x200xi32, #tpu.memory_space<vmem>> -> memref<1x200xi32, #tpu.memory_space<vmem>>
      %dma_start3A_17 = tpu.memref_squeeze %dma_start3A_16 : memref<1x200xi32, #tpu.memory_space<vmem>> -> memref<200xi32, #tpu.memory_space<vmem>>
      %dma_start3A_18 = arith.constant 0 : i32
      %dma_start3A_19 = arith.constant 0 : i32
      %dma_start3A_20 = tpu.memref_slice %arg3[%dma_start3A_18, %dma_start3A_19] : memref<1000000x32xf32, #tpu.memory_space<hbm>> -> memref<1000000x32xf32, #tpu.memory_space<hbm>>
      tpu.enqueue_indirect_dma source(%dma_start3A_20 : memref<1000000x32xf32, #tpu.memory_space<hbm>>) target(%arg6 : memref<200x32xf32, #tpu.memory_space<vmem>>) offsets(%dma_start3A_17 : memref<200xi32, #tpu.memory_space<vmem>>) semaphore(%arg11 : memref<!tpu.dma_semaphore, #tpu.memory_space<semaphore_mem>>)
      %dma_start3A_21 = arith.constant 1 : i32
      %dma_start3A_22 = arith.constant 0 : i32
      %dma_start3A_23 = tpu.memref_slice %arg5[%dma_start3A_21, %dma_start3A_22] : memref<128x200xi32, #tpu.memory_space<vmem>> -> memref<1x200xi32, #tpu.memory_space<vmem>>
      %dma_start3A_24 = tpu.memref_squeeze %dma_start3A_23 : memref<1x200xi32, #tpu.memory_space<vmem>> -> memref<200xi32, #tpu.memory_space<vmem>>
      %dma_start3A_25 = arith.constant 0 : i32
      %dma_start3A_26 = arith.constant 0 : i32
      %dma_start3A_27 = tpu.memref_slice %arg3[%dma_start3A_25, %dma_start3A_26] : memref<1000000x32xf32, #tpu.memory_space<hbm>> -> memref<1000000x32xf32, #tpu.memory_space<hbm>>
      tpu.enqueue_indirect_dma source(%dma_start3A_27 : memref<1000000x32xf32, #tpu.memory_space<hbm>>) target(%arg7 : memref<200x32xf32, #tpu.memory_space<vmem>>) offsets(%dma_start3A_24 : memref<200xi32, #tpu.memory_space<vmem>>) semaphore(%arg12 : memref<!tpu.dma_semaphore, #tpu.memory_space<semaphore_mem>>)
      %dma_start3A_28 = arith.constant 2 : i32
      %dma_start3A_29 = arith.constant 0 : i32
      %dma_start3A_30 = tpu.memref_slice %arg5[%dma_start3A_28, %dma_start3A_29] : memref<128x200xi32, #tpu.memory_space<vmem>> -> memref<1x200xi32, #tpu.memory_space<vmem>>
      %dma_start3A_31 = tpu.memref_squeeze %dma_start3A_30 : memref<1x200xi32, #tpu.memory_space<vmem>> -> memref<200xi32, #tpu.memory_space<vmem>>
      %dma_start3A_32 = arith.constant 0 : i32
      %dma_start3A_33 = arith.constant 0 : i32
      %dma_start3A_34 = tpu.memref_slice %arg3[%dma_start3A_32, %dma_start3A_33] : memref<1000000x32xf32, #tpu.memory_space<hbm>> -> memref<1000000x32xf32, #tpu.memory_space<hbm>>
      tpu.enqueue_indirect_dma source(%dma_start3A_34 : memref<1000000x32xf32, #tpu.memory_space<hbm>>) target(%arg8 : memref<200x32xf32, #tpu.memory_space<vmem>>) offsets(%dma_start3A_31 : memref<200xi32, #tpu.memory_space<vmem>>) semaphore(%arg13 : memref<!tpu.dma_semaphore, #tpu.memory_space<semaphore_mem>>)
      %scan3A_35 = arith.constant 0 : i32
      %scan3A_36 = arith.constant 32 : i32
      %scan3A_37 = arith.addi %scan3A_35, %scan3A_36 : i32
      %scan3A_38 = arith.constant 1 : i32
      scf.for %scan3A_40 = %scan3A_35 to %scan3A_37 step %scan3A_38  : i32 {
        %mul3A_41 = arith.constant 4 : i32
        %mul3A_42 = arith.muli %scan3A_40, %mul3A_41 : i32
        %add3A_43 = arith.constant 0 : i32
        %add3A_44 = arith.addi %add3A_43, %mul3A_42 : i32
        %add3A_45 = arith.constant 0 : i32
        %add3A_46 = arith.addi %add3A_44, %add3A_45 : i32
        %dma_wait3A = arith.constant 0 : i32
        %dma_wait3A_47 = arith.constant 0 : i32
        %dma_wait3A_48 = tpu.memref_slice %arg5[%dma_wait3A, %dma_wait3A_47] : memref<128x200xi32, #tpu.memory_space<vmem>> -> memref<1x200xi32, #tpu.memory_space<vmem>>
        %dma_wait3A_49 = tpu.memref_squeeze %dma_wait3A_48 : memref<1x200xi32, #tpu.memory_space<vmem>> -> memref<200xi32, #tpu.memory_space<vmem>>
        %dma_wait3A_50 = arith.constant 0 : i32
        %dma_wait3A_51 = arith.constant 0 : i32
        %dma_wait3A_52 = tpu.memref_slice %arg3[%dma_wait3A_50, %dma_wait3A_51] : memref<1000000x32xf32, #tpu.memory_space<hbm>> -> memref<1000000x32xf32, #tpu.memory_space<hbm>>
        tpu.wait_indirect_dma semaphore(%arg11 : memref<!tpu.dma_semaphore, #tpu.memory_space<semaphore_mem>>) src(%dma_wait3A_52 : memref<1000000x32xf32, #tpu.memory_space<hbm>>) dst(%arg6 : memref<200x32xf32, #tpu.memory_space<vmem>>)
        %mul3A_53 = arith.constant 128 : i32
        %mul3A_54 = arith.muli %add3A_11, %mul3A_53 : i32
        %add3A_55 = arith.addi %mul3A_54, %add3A_46 : i32
        %broadcast_in_dim3A = arith.constant 0.000000e+00 : f32
        %broadcast_in_dim3A_56 = vector.broadcast %broadcast_in_dim3A : f32 to vector<16xf32>
        %scan3A_57 = arith.constant 0 : i32
        %scan3A_58 = arith.constant 25 : i32
        %scan3A_59 = arith.addi %scan3A_57, %scan3A_58 : i32
        %scan3A_60 = arith.constant 1 : i32
        %scan3A_61:2 = scf.for %scan3A_218 = %scan3A_57 to %scan3A_59 step %scan3A_60 iter_args(%scan3A_219 = %broadcast_in_dim3A_56, %scan3A_220 = %broadcast_in_dim3A_56) -> (vector<16xf32>, vector<16xf32>)  : i32 {
          %mul3A_221 = arith.constant 8 : i32
          %mul3A_222 = arith.muli %scan3A_218, %mul3A_221 : i32
          %add3A_223 = arith.constant 0 : i32
          %add3A_224 = arith.addi %mul3A_222, %add3A_223 : i32
          %get3A = arith.index_cast %add3A_224 : i32 to index
          %get3A_225 = arith.constant 0 : index
          %get3A_226 = tpu.vector_load %arg6[%get3A, %get3A_225] {strides = array<i32>} : memref<200x32xf32, #tpu.memory_space<vmem>>, vector<1x16xf32>,
          %get3A_227 = vector.shape_cast %get3A_226 : vector<1x16xf32> to vector<16xf32>
          %add3A_228 = arith.constant 1 : i32
          %add3A_229 = arith.addi %mul3A_222, %add3A_228 : i32
          %get3A_230 = arith.index_cast %add3A_229 : i32 to index
          %get3A_231 = arith.constant 0 : index
          %get3A_232 = tpu.vector_load %arg6[%get3A_230, %get3A_231] {strides = array<i32>} : memref<200x32xf32, #tpu.memory_space<vmem>>, vector<1x16xf32>,
          %get3A_233 = vector.shape_cast %get3A_232 : vector<1x16xf32> to vector<16xf32>
          %add3A_234 = arith.constant 2 : i32
          %add3A_235 = arith.addi %mul3A_222, %add3A_234 : i32
          %get3A_236 = arith.index_cast %add3A_235 : i32 to index
          %get3A_237 = arith.constant 0 : index
          %get3A_238 = tpu.vector_load %arg6[%get3A_236, %get3A_237] {strides = array<i32>} : memref<200x32xf32, #tpu.memory_space<vmem>>, vector<1x16xf32>,
          %get3A_239 = vector.shape_cast %get3A_238 : vector<1x16xf32> to vector<16xf32>
          %add3A_240 = arith.constant 3 : i32
          %add3A_241 = arith.addi %mul3A_222, %add3A_240 : i32
          %get3A_242 = arith.index_cast %add3A_241 : i32 to index
          %get3A_243 = arith.constant 0 : index
          %get3A_244 = tpu.vector_load %arg6[%get3A_242, %get3A_243] {strides = array<i32>} : memref<200x32xf32, #tpu.memory_space<vmem>>, vector<1x16xf32>,
          %get3A_245 = vector.shape_cast %get3A_244 : vector<1x16xf32> to vector<16xf32>
          %add3A_246 = arith.constant 4 : i32
          %add3A_247 = arith.addi %mul3A_222, %add3A_246 : i32
          %get3A_248 = arith.index_cast %add3A_247 : i32 to index
          %get3A_249 = arith.constant 0 : index
          %get3A_250 = tpu.vector_load %arg6[%get3A_248, %get3A_249] {strides = array<i32>} : memref<200x32xf32, #tpu.memory_space<vmem>>, vector<1x16xf32>,
          %get3A_251 = vector.shape_cast %get3A_250 : vector<1x16xf32> to vector<16xf32>
          %add3A_252 = arith.constant 5 : i32
          %add3A_253 = arith.addi %mul3A_222, %add3A_252 : i32
          %get3A_254 = arith.index_cast %add3A_253 : i32 to index
          %get3A_255 = arith.constant 0 : index
          %get3A_256 = tpu.vector_load %arg6[%get3A_254, %get3A_255] {strides = array<i32>} : memref<200x32xf32, #tpu.memory_space<vmem>>, vector<1x16xf32>,
          %get3A_257 = vector.shape_cast %get3A_256 : vector<1x16xf32> to vector<16xf32>
          %add3A_258 = arith.constant 6 : i32
          %add3A_259 = arith.addi %mul3A_222, %add3A_258 : i32
          %get3A_260 = arith.index_cast %add3A_259 : i32 to index
          %get3A_261 = arith.constant 0 : index
          %get3A_262 = tpu.vector_load %arg6[%get3A_260, %get3A_261] {strides = array<i32>} : memref<200x32xf32, #tpu.memory_space<vmem>>, vector<1x16xf32>,
          %get3A_263 = vector.shape_cast %get3A_262 : vector<1x16xf32> to vector<16xf32>
          %add3A_264 = arith.constant 7 : i32
          %add3A_265 = arith.addi %mul3A_222, %add3A_264 : i32
          %get3A_266 = arith.index_cast %add3A_265 : i32 to index
          %get3A_267 = arith.constant 0 : index
          %get3A_268 = tpu.vector_load %arg6[%get3A_266, %get3A_267] {strides = array<i32>} : memref<200x32xf32, #tpu.memory_space<vmem>>, vector<1x16xf32>,
          %get3A_269 = vector.shape_cast %get3A_268 : vector<1x16xf32> to vector<16xf32>
          %add3A_270 = arith.constant 0 : i32
          %add3A_271 = arith.addi %mul3A_222, %add3A_270 : i32
          %get3A_272 = arith.index_cast %add3A_271 : i32 to index
          %get3A_273 = arith.constant 16 : index
          %get3A_274 = tpu.vector_load %arg6[%get3A_272, %get3A_273] {strides = array<i32>} : memref<200x32xf32, #tpu.memory_space<vmem>>, vector<1x16xf32>,
          %get3A_275 = vector.shape_cast %get3A_274 : vector<1x16xf32> to vector<16xf32>
          %add3A_276 = arith.constant 1 : i32
          %add3A_277 = arith.addi %mul3A_222, %add3A_276 : i32
          %get3A_278 = arith.index_cast %add3A_277 : i32 to index
          %get3A_279 = arith.constant 16 : index
          %get3A_280 = tpu.vector_load %arg6[%get3A_278, %get3A_279] {strides = array<i32>} : memref<200x32xf32, #tpu.memory_space<vmem>>, vector<1x16xf32>,
          %get3A_281 = vector.shape_cast %get3A_280 : vector<1x16xf32> to vector<16xf32>
          %add3A_282 = arith.constant 2 : i32
          %add3A_283 = arith.addi %mul3A_222, %add3A_282 : i32
          %get3A_284 = arith.index_cast %add3A_283 : i32 to index
          %get3A_285 = arith.constant 16 : index
          %get3A_286 = tpu.vector_load %arg6[%get3A_284, %get3A_285] {strides = array<i32>} : memref<200x32xf32, #tpu.memory_space<vmem>>, vector<1x16xf32>,
          %get3A_287 = vector.shape_cast %get3A_286 : vector<1x16xf32> to vector<16xf32>
          %add3A_288 = arith.constant 3 : i32
          %add3A_289 = arith.addi %mul3A_222, %add3A_288 : i32
          %get3A_290 = arith.index_cast %add3A_289 : i32 to index
          %get3A_291 = arith.constant 16 : index
          %get3A_292 = tpu.vector_load %arg6[%get3A_290, %get3A_291] {strides = array<i32>} : memref<200x32xf32, #tpu.memory_space<vmem>>, vector<1x16xf32>,
          %get3A_293 = vector.shape_cast %get3A_292 : vector<1x16xf32> to vector<16xf32>
          %add3A_294 = arith.constant 4 : i32
          %add3A_295 = arith.addi %mul3A_222, %add3A_294 : i32
          %get3A_296 = arith.index_cast %add3A_295 : i32 to index
          %get3A_297 = arith.constant 16 : index
          %get3A_298 = tpu.vector_load %arg6[%get3A_296, %get3A_297] {strides = array<i32>} : memref<200x32xf32, #tpu.memory_space<vmem>>, vector<1x16xf32>,
          %get3A_299 = vector.shape_cast %get3A_298 : vector<1x16xf32> to vector<16xf32>
          %add3A_300 = arith.constant 5 : i32
          %add3A_301 = arith.addi %mul3A_222, %add3A_300 : i32
          %get3A_302 = arith.index_cast %add3A_301 : i32 to index
          %get3A_303 = arith.constant 16 : index
          %get3A_304 = tpu.vector_load %arg6[%get3A_302, %get3A_303] {strides = array<i32>} : memref<200x32xf32, #tpu.memory_space<vmem>>, vector<1x16xf32>,
          %get3A_305 = vector.shape_cast %get3A_304 : vector<1x16xf32> to vector<16xf32>
          %add3A_306 = arith.constant 6 : i32
          %add3A_307 = arith.addi %mul3A_222, %add3A_306 : i32
          %get3A_308 = arith.index_cast %add3A_307 : i32 to index
          %get3A_309 = arith.constant 16 : index
          %get3A_310 = tpu.vector_load %arg6[%get3A_308, %get3A_309] {strides = array<i32>} : memref<200x32xf32, #tpu.memory_space<vmem>>, vector<1x16xf32>,
          %get3A_311 = vector.shape_cast %get3A_310 : vector<1x16xf32> to vector<16xf32>
          %add3A_312 = arith.constant 7 : i32
          %add3A_313 = arith.addi %mul3A_222, %add3A_312 : i32
          %get3A_314 = arith.index_cast %add3A_313 : i32 to index
          %get3A_315 = arith.constant 16 : index
          %get3A_316 = tpu.vector_load %arg6[%get3A_314, %get3A_315] {strides = array<i32>} : memref<200x32xf32, #tpu.memory_space<vmem>>, vector<1x16xf32>,
          %get3A_317 = vector.shape_cast %get3A_316 : vector<1x16xf32> to vector<16xf32>
          %add3A_318 = arith.addf %get3A_227, %get3A_233 : vector<16xf32>
          %add3A_319 = arith.addf %get3A_239, %get3A_245 : vector<16xf32>
          %add3A_320 = arith.addf %get3A_251, %get3A_257 : vector<16xf32>
          %add3A_321 = arith.addf %get3A_263, %get3A_269 : vector<16xf32>
          %add3A_322 = arith.addf %add3A_318, %add3A_319 : vector<16xf32>
          %add3A_323 = arith.addf %add3A_320, %add3A_321 : vector<16xf32>
          %add3A_324 = arith.addf %add3A_322, %add3A_323 : vector<16xf32>
          %add3A_325 = arith.addf %scan3A_219, %add3A_324 : vector<16xf32>
          %add3A_326 = arith.addf %get3A_275, %get3A_281 : vector<16xf32>
          %add3A_327 = arith.addf %get3A_287, %get3A_293 : vector<16xf32>
          %add3A_328 = arith.addf %get3A_299, %get3A_305 : vector<16xf32>
          %add3A_329 = arith.addf %get3A_311, %get3A_317 : vector<16xf32>
          %add3A_330 = arith.addf %add3A_326, %add3A_327 : vector<16xf32>
          %add3A_331 = arith.addf %add3A_328, %add3A_329 : vector<16xf32>
          %add3A_332 = arith.addf %add3A_330, %add3A_331 : vector<16xf32>
          %add3A_333 = arith.addf %scan3A_220, %add3A_332 : vector<16xf32>
          scf.yield %add3A_325, %add3A_333 : vector<16xf32>, vector<16xf32>
        }
        %scan3A_62 = arith.constant 25 : i32
        %mul3A_63 = arith.constant 5.000000e-03 : f32
        %mul3A_64 = vector.broadcast %mul3A_63 : f32 to vector<16xf32>
        %mul3A_65 = arith.mulf %scan3A_61#0, %mul3A_64 : vector<16xf32>
        %swap3A = arith.index_cast %add3A_55 : i32 to index
        %swap3A_66 = arith.constant 0 : index
        %swap3A_67 = tpu.vector_load %arg10[%swap3A, %swap3A_66] {strides = array<i32>} : memref<512x32xf32, #tpu.memory_space<vmem>>, vector<1x16xf32>,
        %swap3A_68 = vector.shape_cast %swap3A_67 : vector<1x16xf32> to vector<16xf32>
        %swap3A_69 = vector.shape_cast %mul3A_65 : vector<16xf32> to vector<1x16xf32>
        tpu.vector_store %arg10[%swap3A, %swap3A_66], %swap3A_69 {strides = array<i32>} : memref<512x32xf32, #tpu.memory_space<vmem>>, vector<1x16xf32>,
        %mul3A_70 = arith.constant 5.000000e-03 : f32
        %mul3A_71 = vector.broadcast %mul3A_70 : f32 to vector<16xf32>
        %mul3A_72 = arith.mulf %scan3A_61#1, %mul3A_71 : vector<16xf32>
        %swap3A_73 = arith.index_cast %add3A_55 : i32 to index
        %swap3A_74 = arith.constant 16 : index
        %swap3A_75 = tpu.vector_load %arg10[%swap3A_73, %swap3A_74] {strides = array<i32>} : memref<512x32xf32, #tpu.memory_space<vmem>>, vector<1x16xf32>,
        %swap3A_76 = vector.shape_cast %swap3A_75 : vector<1x16xf32> to vector<16xf32>
        %swap3A_77 = vector.shape_cast %mul3A_72 : vector<16xf32> to vector<1x16xf32>
        tpu.vector_store %arg10[%swap3A_73, %swap3A_74], %swap3A_77 {strides = array<i32>} : memref<512x32xf32, #tpu.memory_space<vmem>>, vector<1x16xf32>,
        %add3A_78 = arith.constant 4 : i32
        %add3A_79 = arith.addi %add3A_46, %add3A_78 : i32
        %sub3A = arith.constant 1 : i32
        %sub3A_80 = arith.subi %add3A_79, %sub3A : i32
        %lt3A = arith.constant 128 : i32
        %lt3A_81 = arith.cmpi slt, %sub3A_80, %lt3A : i32
        %convert_element_type3A = arith.extui %lt3A_81 : i1 to i32
        %cond3A = arith.constant 0 : i32
        %cond3A_82 = arith.cmpi ne, %convert_element_type3A, %cond3A : i32
        scf.if %cond3A_82 {
          %add3A_218 = arith.constant 4 : i32
          %add3A_219 = arith.addi %add3A_46, %add3A_218 : i32
          %sub3A_220 = arith.constant 1 : i32
          %sub3A_221 = arith.subi %add3A_219, %sub3A_220 : i32
          %dma_start3A_222 = arith.constant 0 : i32
          %dma_start3A_223 = tpu.memref_slice %arg5[%sub3A_221, %dma_start3A_222] : memref<128x200xi32, #tpu.memory_space<vmem>> -> memref<1x200xi32, #tpu.memory_space<vmem>>
          %dma_start3A_224 = tpu.memref_squeeze %dma_start3A_223 : memref<1x200xi32, #tpu.memory_space<vmem>> -> memref<200xi32, #tpu.memory_space<vmem>>
          %dma_start3A_225 = arith.constant 0 : i32
          %dma_start3A_226 = arith.constant 0 : i32
          %dma_start3A_227 = tpu.memref_slice %arg3[%dma_start3A_225, %dma_start3A_226] : memref<1000000x32xf32, #tpu.memory_space<hbm>> -> memref<1000000x32xf32, #tpu.memory_space<hbm>>
          tpu.enqueue_indirect_dma source(%dma_start3A_227 : memref<1000000x32xf32, #tpu.memory_space<hbm>>) target(%arg9 : memref<200x32xf32, #tpu.memory_space<vmem>>) offsets(%dma_start3A_224 : memref<200xi32, #tpu.memory_space<vmem>>) semaphore(%arg14 : memref<!tpu.dma_semaphore, #tpu.memory_space<semaphore_mem>>)
        } else {
        }
        %add3A_83 = arith.constant 1 : i32
        %add3A_84 = arith.addi %add3A_44, %add3A_83 : i32
        %dma_wait3A_85 = arith.constant 0 : i32
        %dma_wait3A_86 = arith.constant 0 : i32
        %dma_wait3A_87 = tpu.memref_slice %arg5[%dma_wait3A_85, %dma_wait3A_86] : memref<128x200xi32, #tpu.memory_space<vmem>> -> memref<1x200xi32, #tpu.memory_space<vmem>>
        %dma_wait3A_88 = tpu.memref_squeeze %dma_wait3A_87 : memref<1x200xi32, #tpu.memory_space<vmem>> -> memref<200xi32, #tpu.memory_space<vmem>>
        %dma_wait3A_89 = arith.constant 0 : i32
        %dma_wait3A_90 = arith.constant 0 : i32
        %dma_wait3A_91 = tpu.memref_slice %arg3[%dma_wait3A_89, %dma_wait3A_90] : memref<1000000x32xf32, #tpu.memory_space<hbm>> -> memref<1000000x32xf32, #tpu.memory_space<hbm>>
        tpu.wait_indirect_dma semaphore(%arg12 : memref<!tpu.dma_semaphore, #tpu.memory_space<semaphore_mem>>) src(%dma_wait3A_91 : memref<1000000x32xf32, #tpu.memory_space<hbm>>) dst(%arg7 : memref<200x32xf32, #tpu.memory_space<vmem>>)
        %mul3A_92 = arith.constant 128 : i32
        %mul3A_93 = arith.muli %add3A_11, %mul3A_92 : i32
        %add3A_94 = arith.addi %mul3A_93, %add3A_84 : i32
        %broadcast_in_dim3A_95 = arith.constant 0.000000e+00 : f32
        %broadcast_in_dim3A_96 = vector.broadcast %broadcast_in_dim3A_95 : f32 to vector<16xf32>
        %scan3A_97 = arith.constant 0 : i32
        %scan3A_98 = arith.constant 25 : i32
        %scan3A_99 = arith.addi %scan3A_97, %scan3A_98 : i32
        %scan3A_100 = arith.constant 1 : i32
        %scan3A_101:2 = scf.for %scan3A_218 = %scan3A_97 to %scan3A_99 step %scan3A_100 iter_args(%scan3A_219 = %broadcast_in_dim3A_96, %scan3A_220 = %broadcast_in_dim3A_96) -> (vector<16xf32>, vector<16xf32>)  : i32 {
          %mul3A_221 = arith.constant 8 : i32
          %mul3A_222 = arith.muli %scan3A_218, %mul3A_221 : i32
          %add3A_223 = arith.constant 0 : i32
          %add3A_224 = arith.addi %mul3A_222, %add3A_223 : i32
          %get3A = arith.index_cast %add3A_224 : i32 to index
          %get3A_225 = arith.constant 0 : index
          %get3A_226 = tpu.vector_load %arg7[%get3A, %get3A_225] {strides = array<i32>} : memref<200x32xf32, #tpu.memory_space<vmem>>, vector<1x16xf32>,
          %get3A_227 = vector.shape_cast %get3A_226 : vector<1x16xf32> to vector<16xf32>
          %add3A_228 = arith.constant 1 : i32
          %add3A_229 = arith.addi %mul3A_222, %add3A_228 : i32
          %get3A_230 = arith.index_cast %add3A_229 : i32 to index
          %get3A_231 = arith.constant 0 : index
          %get3A_232 = tpu.vector_load %arg7[%get3A_230, %get3A_231] {strides = array<i32>} : memref<200x32xf32, #tpu.memory_space<vmem>>, vector<1x16xf32>,
          %get3A_233 = vector.shape_cast %get3A_232 : vector<1x16xf32> to vector<16xf32>
          %add3A_234 = arith.constant 2 : i32
          %add3A_235 = arith.addi %mul3A_222, %add3A_234 : i32
          %get3A_236 = arith.index_cast %add3A_235 : i32 to index
          %get3A_237 = arith.constant 0 : index
          %get3A_238 = tpu.vector_load %arg7[%get3A_236, %get3A_237] {strides = array<i32>} : memref<200x32xf32, #tpu.memory_space<vmem>>, vector<1x16xf32>,
          %get3A_239 = vector.shape_cast %get3A_238 : vector<1x16xf32> to vector<16xf32>
          %add3A_240 = arith.constant 3 : i32
          %add3A_241 = arith.addi %mul3A_222, %add3A_240 : i32
          %get3A_242 = arith.index_cast %add3A_241 : i32 to index
          %get3A_243 = arith.constant 0 : index
          %get3A_244 = tpu.vector_load %arg7[%get3A_242, %get3A_243] {strides = array<i32>} : memref<200x32xf32, #tpu.memory_space<vmem>>, vector<1x16xf32>,
          %get3A_245 = vector.shape_cast %get3A_244 : vector<1x16xf32> to vector<16xf32>
          %add3A_246 = arith.constant 4 : i32
          %add3A_247 = arith.addi %mul3A_222, %add3A_246 : i32
          %get3A_248 = arith.index_cast %add3A_247 : i32 to index
          %get3A_249 = arith.constant 0 : index
          %get3A_250 = tpu.vector_load %arg7[%get3A_248, %get3A_249] {strides = array<i32>} : memref<200x32xf32, #tpu.memory_space<vmem>>, vector<1x16xf32>,
          %get3A_251 = vector.shape_cast %get3A_250 : vector<1x16xf32> to vector<16xf32>
          %add3A_252 = arith.constant 5 : i32
          %add3A_253 = arith.addi %mul3A_222, %add3A_252 : i32
          %get3A_254 = arith.index_cast %add3A_253 : i32 to index
          %get3A_255 = arith.constant 0 : index
          %get3A_256 = tpu.vector_load %arg7[%get3A_254, %get3A_255] {strides = array<i32>} : memref<200x32xf32, #tpu.memory_space<vmem>>, vector<1x16xf32>,
          %get3A_257 = vector.shape_cast %get3A_256 : vector<1x16xf32> to vector<16xf32>
          %add3A_258 = arith.constant 6 : i32
          %add3A_259 = arith.addi %mul3A_222, %add3A_258 : i32
          %get3A_260 = arith.index_cast %add3A_259 : i32 to index
          %get3A_261 = arith.constant 0 : index
          %get3A_262 = tpu.vector_load %arg7[%get3A_260, %get3A_261] {strides = array<i32>} : memref<200x32xf32, #tpu.memory_space<vmem>>, vector<1x16xf32>,
          %get3A_263 = vector.shape_cast %get3A_262 : vector<1x16xf32> to vector<16xf32>
          %add3A_264 = arith.constant 7 : i32
          %add3A_265 = arith.addi %mul3A_222, %add3A_264 : i32
          %get3A_266 = arith.index_cast %add3A_265 : i32 to index
          %get3A_267 = arith.constant 0 : index
          %get3A_268 = tpu.vector_load %arg7[%get3A_266, %get3A_267] {strides = array<i32>} : memref<200x32xf32, #tpu.memory_space<vmem>>, vector<1x16xf32>,
          %get3A_269 = vector.shape_cast %get3A_268 : vector<1x16xf32> to vector<16xf32>
          %add3A_270 = arith.constant 0 : i32
          %add3A_271 = arith.addi %mul3A_222, %add3A_270 : i32
          %get3A_272 = arith.index_cast %add3A_271 : i32 to index
          %get3A_273 = arith.constant 16 : index
          %get3A_274 = tpu.vector_load %arg7[%get3A_272, %get3A_273] {strides = array<i32>} : memref<200x32xf32, #tpu.memory_space<vmem>>, vector<1x16xf32>,
          %get3A_275 = vector.shape_cast %get3A_274 : vector<1x16xf32> to vector<16xf32>
          %add3A_276 = arith.constant 1 : i32
          %add3A_277 = arith.addi %mul3A_222, %add3A_276 : i32
          %get3A_278 = arith.index_cast %add3A_277 : i32 to index
          %get3A_279 = arith.constant 16 : index
          %get3A_280 = tpu.vector_load %arg7[%get3A_278, %get3A_279] {strides = array<i32>} : memref<200x32xf32, #tpu.memory_space<vmem>>, vector<1x16xf32>,
          %get3A_281 = vector.shape_cast %get3A_280 : vector<1x16xf32> to vector<16xf32>
          %add3A_282 = arith.constant 2 : i32
          %add3A_283 = arith.addi %mul3A_222, %add3A_282 : i32
          %get3A_284 = arith.index_cast %add3A_283 : i32 to index
          %get3A_285 = arith.constant 16 : index
          %get3A_286 = tpu.vector_load %arg7[%get3A_284, %get3A_285] {strides = array<i32>} : memref<200x32xf32, #tpu.memory_space<vmem>>, vector<1x16xf32>,
          %get3A_287 = vector.shape_cast %get3A_286 : vector<1x16xf32> to vector<16xf32>
          %add3A_288 = arith.constant 3 : i32
          %add3A_289 = arith.addi %mul3A_222, %add3A_288 : i32
          %get3A_290 = arith.index_cast %add3A_289 : i32 to index
          %get3A_291 = arith.constant 16 : index
          %get3A_292 = tpu.vector_load %arg7[%get3A_290, %get3A_291] {strides = array<i32>} : memref<200x32xf32, #tpu.memory_space<vmem>>, vector<1x16xf32>,
          %get3A_293 = vector.shape_cast %get3A_292 : vector<1x16xf32> to vector<16xf32>
          %add3A_294 = arith.constant 4 : i32
          %add3A_295 = arith.addi %mul3A_222, %add3A_294 : i32
          %get3A_296 = arith.index_cast %add3A_295 : i32 to index
          %get3A_297 = arith.constant 16 : index
          %get3A_298 = tpu.vector_load %arg7[%get3A_296, %get3A_297] {strides = array<i32>} : memref<200x32xf32, #tpu.memory_space<vmem>>, vector<1x16xf32>,
          %get3A_299 = vector.shape_cast %get3A_298 : vector<1x16xf32> to vector<16xf32>
          %add3A_300 = arith.constant 5 : i32
          %add3A_301 = arith.addi %mul3A_222, %add3A_300 : i32
          %get3A_302 = arith.index_cast %add3A_301 : i32 to index
          %get3A_303 = arith.constant 16 : index
          %get3A_304 = tpu.vector_load %arg7[%get3A_302, %get3A_303] {strides = array<i32>} : memref<200x32xf32, #tpu.memory_space<vmem>>, vector<1x16xf32>,
          %get3A_305 = vector.shape_cast %get3A_304 : vector<1x16xf32> to vector<16xf32>
          %add3A_306 = arith.constant 6 : i32
          %add3A_307 = arith.addi %mul3A_222, %add3A_306 : i32
          %get3A_308 = arith.index_cast %add3A_307 : i32 to index
          %get3A_309 = arith.constant 16 : index
          %get3A_310 = tpu.vector_load %arg7[%get3A_308, %get3A_309] {strides = array<i32>} : memref<200x32xf32, #tpu.memory_space<vmem>>, vector<1x16xf32>,
          %get3A_311 = vector.shape_cast %get3A_310 : vector<1x16xf32> to vector<16xf32>
          %add3A_312 = arith.constant 7 : i32
          %add3A_313 = arith.addi %mul3A_222, %add3A_312 : i32
          %get3A_314 = arith.index_cast %add3A_313 : i32 to index
          %get3A_315 = arith.constant 16 : index
          %get3A_316 = tpu.vector_load %arg7[%get3A_314, %get3A_315] {strides = array<i32>} : memref<200x32xf32, #tpu.memory_space<vmem>>, vector<1x16xf32>,
          %get3A_317 = vector.shape_cast %get3A_316 : vector<1x16xf32> to vector<16xf32>
          %add3A_318 = arith.addf %get3A_227, %get3A_233 : vector<16xf32>
          %add3A_319 = arith.addf %get3A_239, %get3A_245 : vector<16xf32>
          %add3A_320 = arith.addf %get3A_251, %get3A_257 : vector<16xf32>
          %add3A_321 = arith.addf %get3A_263, %get3A_269 : vector<16xf32>
          %add3A_322 = arith.addf %add3A_318, %add3A_319 : vector<16xf32>
          %add3A_323 = arith.addf %add3A_320, %add3A_321 : vector<16xf32>
          %add3A_324 = arith.addf %add3A_322, %add3A_323 : vector<16xf32>
          %add3A_325 = arith.addf %scan3A_219, %add3A_324 : vector<16xf32>
          %add3A_326 = arith.addf %get3A_275, %get3A_281 : vector<16xf32>
          %add3A_327 = arith.addf %get3A_287, %get3A_293 : vector<16xf32>
          %add3A_328 = arith.addf %get3A_299, %get3A_305 : vector<16xf32>
          %add3A_329 = arith.addf %get3A_311, %get3A_317 : vector<16xf32>
          %add3A_330 = arith.addf %add3A_326, %add3A_327 : vector<16xf32>
          %add3A_331 = arith.addf %add3A_328, %add3A_329 : vector<16xf32>
          %add3A_332 = arith.addf %add3A_330, %add3A_331 : vector<16xf32>
          %add3A_333 = arith.addf %scan3A_220, %add3A_332 : vector<16xf32>
          scf.yield %add3A_325, %add3A_333 : vector<16xf32>, vector<16xf32>
        }
        %scan3A_102 = arith.constant 25 : i32
        %mul3A_103 = arith.constant 5.000000e-03 : f32
        %mul3A_104 = vector.broadcast %mul3A_103 : f32 to vector<16xf32>
        %mul3A_105 = arith.mulf %scan3A_101#0, %mul3A_104 : vector<16xf32>
        %swap3A_106 = arith.index_cast %add3A_94 : i32 to index
        %swap3A_107 = arith.constant 0 : index
        %swap3A_108 = tpu.vector_load %arg10[%swap3A_106, %swap3A_107] {strides = array<i32>} : memref<512x32xf32, #tpu.memory_space<vmem>>, vector<1x16xf32>,
        %swap3A_109 = vector.shape_cast %swap3A_108 : vector<1x16xf32> to vector<16xf32>
        %swap3A_110 = vector.shape_cast %mul3A_105 : vector<16xf32> to vector<1x16xf32>
        tpu.vector_store %arg10[%swap3A_106, %swap3A_107], %swap3A_110 {strides = array<i32>} : memref<512x32xf32, #tpu.memory_space<vmem>>, vector<1x16xf32>,
        %mul3A_111 = arith.constant 5.000000e-03 : f32
        %mul3A_112 = vector.broadcast %mul3A_111 : f32 to vector<16xf32>
        %mul3A_113 = arith.mulf %scan3A_101#1, %mul3A_112 : vector<16xf32>
        %swap3A_114 = arith.index_cast %add3A_94 : i32 to index
        %swap3A_115 = arith.constant 16 : index
        %swap3A_116 = tpu.vector_load %arg10[%swap3A_114, %swap3A_115] {strides = array<i32>} : memref<512x32xf32, #tpu.memory_space<vmem>>, vector<1x16xf32>,
        %swap3A_117 = vector.shape_cast %swap3A_116 : vector<1x16xf32> to vector<16xf32>
        %swap3A_118 = vector.shape_cast %mul3A_113 : vector<16xf32> to vector<1x16xf32>
        tpu.vector_store %arg10[%swap3A_114, %swap3A_115], %swap3A_118 {strides = array<i32>} : memref<512x32xf32, #tpu.memory_space<vmem>>, vector<1x16xf32>,
        %add3A_119 = arith.constant 4 : i32
        %add3A_120 = arith.addi %add3A_84, %add3A_119 : i32
        %sub3A_121 = arith.constant 1 : i32
        %sub3A_122 = arith.subi %add3A_120, %sub3A_121 : i32
        %lt3A_123 = arith.constant 128 : i32
        %lt3A_124 = arith.cmpi slt, %sub3A_122, %lt3A_123 : i32
        %convert_element_type3A_125 = arith.extui %lt3A_124 : i1 to i32
        %cond3A_126 = arith.constant 0 : i32
        %cond3A_127 = arith.cmpi ne, %convert_element_type3A_125, %cond3A_126 : i32
        scf.if %cond3A_127 {
          %add3A_218 = arith.constant 4 : i32
          %add3A_219 = arith.addi %add3A_84, %add3A_218 : i32
          %sub3A_220 = arith.constant 1 : i32
          %sub3A_221 = arith.subi %add3A_219, %sub3A_220 : i32
          %dma_start3A_222 = arith.constant 0 : i32
          %dma_start3A_223 = tpu.memref_slice %arg5[%sub3A_221, %dma_start3A_222] : memref<128x200xi32, #tpu.memory_space<vmem>> -> memref<1x200xi32, #tpu.memory_space<vmem>>
          %dma_start3A_224 = tpu.memref_squeeze %dma_start3A_223 : memref<1x200xi32, #tpu.memory_space<vmem>> -> memref<200xi32, #tpu.memory_space<vmem>>
          %dma_start3A_225 = arith.constant 0 : i32
          %dma_start3A_226 = arith.constant 0 : i32
          %dma_start3A_227 = tpu.memref_slice %arg3[%dma_start3A_225, %dma_start3A_226] : memref<1000000x32xf32, #tpu.memory_space<hbm>> -> memref<1000000x32xf32, #tpu.memory_space<hbm>>
          tpu.enqueue_indirect_dma source(%dma_start3A_227 : memref<1000000x32xf32, #tpu.memory_space<hbm>>) target(%arg6 : memref<200x32xf32, #tpu.memory_space<vmem>>) offsets(%dma_start3A_224 : memref<200xi32, #tpu.memory_space<vmem>>) semaphore(%arg11 : memref<!tpu.dma_semaphore, #tpu.memory_space<semaphore_mem>>)
        } else {
        }
        %add3A_128 = arith.constant 2 : i32
        %add3A_129 = arith.addi %add3A_44, %add3A_128 : i32
        %dma_wait3A_130 = arith.constant 0 : i32
        %dma_wait3A_131 = arith.constant 0 : i32
        %dma_wait3A_132 = tpu.memref_slice %arg5[%dma_wait3A_130, %dma_wait3A_131] : memref<128x200xi32, #tpu.memory_space<vmem>> -> memref<1x200xi32, #tpu.memory_space<vmem>>
        %dma_wait3A_133 = tpu.memref_squeeze %dma_wait3A_132 : memref<1x200xi32, #tpu.memory_space<vmem>> -> memref<200xi32, #tpu.memory_space<vmem>>
        %dma_wait3A_134 = arith.constant 0 : i32
        %dma_wait3A_135 = arith.constant 0 : i32
        %dma_wait3A_136 = tpu.memref_slice %arg3[%dma_wait3A_134, %dma_wait3A_135] : memref<1000000x32xf32, #tpu.memory_space<hbm>> -> memref<1000000x32xf32, #tpu.memory_space<hbm>>
        tpu.wait_indirect_dma semaphore(%arg13 : memref<!tpu.dma_semaphore, #tpu.memory_space<semaphore_mem>>) src(%dma_wait3A_136 : memref<1000000x32xf32, #tpu.memory_space<hbm>>) dst(%arg8 : memref<200x32xf32, #tpu.memory_space<vmem>>)
        %mul3A_137 = arith.constant 128 : i32
        %mul3A_138 = arith.muli %add3A_11, %mul3A_137 : i32
        %add3A_139 = arith.addi %mul3A_138, %add3A_129 : i32
        %broadcast_in_dim3A_140 = arith.constant 0.000000e+00 : f32
        %broadcast_in_dim3A_141 = vector.broadcast %broadcast_in_dim3A_140 : f32 to vector<16xf32>
        %scan3A_142 = arith.constant 0 : i32
        %scan3A_143 = arith.constant 25 : i32
        %scan3A_144 = arith.addi %scan3A_142, %scan3A_143 : i32
        %scan3A_145 = arith.constant 1 : i32
        %scan3A_146:2 = scf.for %scan3A_218 = %scan3A_142 to %scan3A_144 step %scan3A_145 iter_args(%scan3A_219 = %broadcast_in_dim3A_141, %scan3A_220 = %broadcast_in_dim3A_141) -> (vector<16xf32>, vector<16xf32>)  : i32 {
          %mul3A_221 = arith.constant 8 : i32
          %mul3A_222 = arith.muli %scan3A_218, %mul3A_221 : i32
          %add3A_223 = arith.constant 0 : i32
          %add3A_224 = arith.addi %mul3A_222, %add3A_223 : i32
          %get3A = arith.index_cast %add3A_224 : i32 to index
          %get3A_225 = arith.constant 0 : index
          %get3A_226 = tpu.vector_load %arg8[%get3A, %get3A_225] {strides = array<i32>} : memref<200x32xf32, #tpu.memory_space<vmem>>, vector<1x16xf32>,
          %get3A_227 = vector.shape_cast %get3A_226 : vector<1x16xf32> to vector<16xf32>
          %add3A_228 = arith.constant 1 : i32
          %add3A_229 = arith.addi %mul3A_222, %add3A_228 : i32
          %get3A_230 = arith.index_cast %add3A_229 : i32 to index
          %get3A_231 = arith.constant 0 : index
          %get3A_232 = tpu.vector_load %arg8[%get3A_230, %get3A_231] {strides = array<i32>} : memref<200x32xf32, #tpu.memory_space<vmem>>, vector<1x16xf32>,
          %get3A_233 = vector.shape_cast %get3A_232 : vector<1x16xf32> to vector<16xf32>
          %add3A_234 = arith.constant 2 : i32
          %add3A_235 = arith.addi %mul3A_222, %add3A_234 : i32
          %get3A_236 = arith.index_cast %add3A_235 : i32 to index
          %get3A_237 = arith.constant 0 : index
          %get3A_238 = tpu.vector_load %arg8[%get3A_236, %get3A_237] {strides = array<i32>} : memref<200x32xf32, #tpu.memory_space<vmem>>, vector<1x16xf32>,
          %get3A_239 = vector.shape_cast %get3A_238 : vector<1x16xf32> to vector<16xf32>
          %add3A_240 = arith.constant 3 : i32
          %add3A_241 = arith.addi %mul3A_222, %add3A_240 : i32
          %get3A_242 = arith.index_cast %add3A_241 : i32 to index
          %get3A_243 = arith.constant 0 : index
          %get3A_244 = tpu.vector_load %arg8[%get3A_242, %get3A_243] {strides = array<i32>} : memref<200x32xf32, #tpu.memory_space<vmem>>, vector<1x16xf32>,
          %get3A_245 = vector.shape_cast %get3A_244 : vector<1x16xf32> to vector<16xf32>
          %add3A_246 = arith.constant 4 : i32
          %add3A_247 = arith.addi %mul3A_222, %add3A_246 : i32
          %get3A_248 = arith.index_cast %add3A_247 : i32 to index
          %get3A_249 = arith.constant 0 : index
          %get3A_250 = tpu.vector_load %arg8[%get3A_248, %get3A_249] {strides = array<i32>} : memref<200x32xf32, #tpu.memory_space<vmem>>, vector<1x16xf32>,
          %get3A_251 = vector.shape_cast %get3A_250 : vector<1x16xf32> to vector<16xf32>
          %add3A_252 = arith.constant 5 : i32
          %add3A_253 = arith.addi %mul3A_222, %add3A_252 : i32
          %get3A_254 = arith.index_cast %add3A_253 : i32 to index
          %get3A_255 = arith.constant 0 : index
          %get3A_256 = tpu.vector_load %arg8[%get3A_254, %get3A_255] {strides = array<i32>} : memref<200x32xf32, #tpu.memory_space<vmem>>, vector<1x16xf32>,
          %get3A_257 = vector.shape_cast %get3A_256 : vector<1x16xf32> to vector<16xf32>
          %add3A_258 = arith.constant 6 : i32
          %add3A_259 = arith.addi %mul3A_222, %add3A_258 : i32
          %get3A_260 = arith.index_cast %add3A_259 : i32 to index
          %get3A_261 = arith.constant 0 : index
          %get3A_262 = tpu.vector_load %arg8[%get3A_260, %get3A_261] {strides = array<i32>} : memref<200x32xf32, #tpu.memory_space<vmem>>, vector<1x16xf32>,
          %get3A_263 = vector.shape_cast %get3A_262 : vector<1x16xf32> to vector<16xf32>
          %add3A_264 = arith.constant 7 : i32
          %add3A_265 = arith.addi %mul3A_222, %add3A_264 : i32
          %get3A_266 = arith.index_cast %add3A_265 : i32 to index
          %get3A_267 = arith.constant 0 : index
          %get3A_268 = tpu.vector_load %arg8[%get3A_266, %get3A_267] {strides = array<i32>} : memref<200x32xf32, #tpu.memory_space<vmem>>, vector<1x16xf32>,
          %get3A_269 = vector.shape_cast %get3A_268 : vector<1x16xf32> to vector<16xf32>
          %add3A_270 = arith.constant 0 : i32
          %add3A_271 = arith.addi %mul3A_222, %add3A_270 : i32
          %get3A_272 = arith.index_cast %add3A_271 : i32 to index
          %get3A_273 = arith.constant 16 : index
          %get3A_274 = tpu.vector_load %arg8[%get3A_272, %get3A_273] {strides = array<i32>} : memref<200x32xf32, #tpu.memory_space<vmem>>, vector<1x16xf32>,
          %get3A_275 = vector.shape_cast %get3A_274 : vector<1x16xf32> to vector<16xf32>
          %add3A_276 = arith.constant 1 : i32
          %add3A_277 = arith.addi %mul3A_222, %add3A_276 : i32
          %get3A_278 = arith.index_cast %add3A_277 : i32 to index
          %get3A_279 = arith.constant 16 : index
          %get3A_280 = tpu.vector_load %arg8[%get3A_278, %get3A_279] {strides = array<i32>} : memref<200x32xf32, #tpu.memory_space<vmem>>, vector<1x16xf32>,
          %get3A_281 = vector.shape_cast %get3A_280 : vector<1x16xf32> to vector<16xf32>
          %add3A_282 = arith.constant 2 : i32
          %add3A_283 = arith.addi %mul3A_222, %add3A_282 : i32
          %get3A_284 = arith.index_cast %add3A_283 : i32 to index
          %get3A_285 = arith.constant 16 : index
          %get3A_286 = tpu.vector_load %arg8[%get3A_284, %get3A_285] {strides = array<i32>} : memref<200x32xf32, #tpu.memory_space<vmem>>, vector<1x16xf32>,
          %get3A_287 = vector.shape_cast %get3A_286 : vector<1x16xf32> to vector<16xf32>
          %add3A_288 = arith.constant 3 : i32
          %add3A_289 = arith.addi %mul3A_222, %add3A_288 : i32
          %get3A_290 = arith.index_cast %add3A_289 : i32 to index
          %get3A_291 = arith.constant 16 : index
          %get3A_292 = tpu.vector_load %arg8[%get3A_290, %get3A_291] {strides = array<i32>} : memref<200x32xf32, #tpu.memory_space<vmem>>, vector<1x16xf32>,
          %get3A_293 = vector.shape_cast %get3A_292 : vector<1x16xf32> to vector<16xf32>
          %add3A_294 = arith.constant 4 : i32
          %add3A_295 = arith.addi %mul3A_222, %add3A_294 : i32
          %get3A_296 = arith.index_cast %add3A_295 : i32 to index
          %get3A_297 = arith.constant 16 : index
          %get3A_298 = tpu.vector_load %arg8[%get3A_296, %get3A_297] {strides = array<i32>} : memref<200x32xf32, #tpu.memory_space<vmem>>, vector<1x16xf32>,
          %get3A_299 = vector.shape_cast %get3A_298 : vector<1x16xf32> to vector<16xf32>
          %add3A_300 = arith.constant 5 : i32
          %add3A_301 = arith.addi %mul3A_222, %add3A_300 : i32
          %get3A_302 = arith.index_cast %add3A_301 : i32 to index
          %get3A_303 = arith.constant 16 : index
          %get3A_304 = tpu.vector_load %arg8[%get3A_302, %get3A_303] {strides = array<i32>} : memref<200x32xf32, #tpu.memory_space<vmem>>, vector<1x16xf32>,
          %get3A_305 = vector.shape_cast %get3A_304 : vector<1x16xf32> to vector<16xf32>
          %add3A_306 = arith.constant 6 : i32
          %add3A_307 = arith.addi %mul3A_222, %add3A_306 : i32
          %get3A_308 = arith.index_cast %add3A_307 : i32 to index
          %get3A_309 = arith.constant 16 : index
          %get3A_310 = tpu.vector_load %arg8[%get3A_308, %get3A_309] {strides = array<i32>} : memref<200x32xf32, #tpu.memory_space<vmem>>, vector<1x16xf32>,
          %get3A_311 = vector.shape_cast %get3A_310 : vector<1x16xf32> to vector<16xf32>
          %add3A_312 = arith.constant 7 : i32
          %add3A_313 = arith.addi %mul3A_222, %add3A_312 : i32
          %get3A_314 = arith.index_cast %add3A_313 : i32 to index
          %get3A_315 = arith.constant 16 : index
          %get3A_316 = tpu.vector_load %arg8[%get3A_314, %get3A_315] {strides = array<i32>} : memref<200x32xf32, #tpu.memory_space<vmem>>, vector<1x16xf32>,
          %get3A_317 = vector.shape_cast %get3A_316 : vector<1x16xf32> to vector<16xf32>
          %add3A_318 = arith.addf %get3A_227, %get3A_233 : vector<16xf32>
          %add3A_319 = arith.addf %get3A_239, %get3A_245 : vector<16xf32>
          %add3A_320 = arith.addf %get3A_251, %get3A_257 : vector<16xf32>
          %add3A_321 = arith.addf %get3A_263, %get3A_269 : vector<16xf32>
          %add3A_322 = arith.addf %add3A_318, %add3A_319 : vector<16xf32>
          %add3A_323 = arith.addf %add3A_320, %add3A_321 : vector<16xf32>
          %add3A_324 = arith.addf %add3A_322, %add3A_323 : vector<16xf32>
          %add3A_325 = arith.addf %scan3A_219, %add3A_324 : vector<16xf32>
          %add3A_326 = arith.addf %get3A_275, %get3A_281 : vector<16xf32>
          %add3A_327 = arith.addf %get3A_287, %get3A_293 : vector<16xf32>
          %add3A_328 = arith.addf %get3A_299, %get3A_305 : vector<16xf32>
          %add3A_329 = arith.addf %get3A_311, %get3A_317 : vector<16xf32>
          %add3A_330 = arith.addf %add3A_326, %add3A_327 : vector<16xf32>
          %add3A_331 = arith.addf %add3A_328, %add3A_329 : vector<16xf32>
          %add3A_332 = arith.addf %add3A_330, %add3A_331 : vector<16xf32>
          %add3A_333 = arith.addf %scan3A_220, %add3A_332 : vector<16xf32>
          scf.yield %add3A_325, %add3A_333 : vector<16xf32>, vector<16xf32>
        }
        %scan3A_147 = arith.constant 25 : i32
        %mul3A_148 = arith.constant 5.000000e-03 : f32
        %mul3A_149 = vector.broadcast %mul3A_148 : f32 to vector<16xf32>
        %mul3A_150 = arith.mulf %scan3A_146#0, %mul3A_149 : vector<16xf32>
        %swap3A_151 = arith.index_cast %add3A_139 : i32 to index
        %swap3A_152 = arith.constant 0 : index
        %swap3A_153 = tpu.vector_load %arg10[%swap3A_151, %swap3A_152] {strides = array<i32>} : memref<512x32xf32, #tpu.memory_space<vmem>>, vector<1x16xf32>,
        %swap3A_154 = vector.shape_cast %swap3A_153 : vector<1x16xf32> to vector<16xf32>
        %swap3A_155 = vector.shape_cast %mul3A_150 : vector<16xf32> to vector<1x16xf32>
        tpu.vector_store %arg10[%swap3A_151, %swap3A_152], %swap3A_155 {strides = array<i32>} : memref<512x32xf32, #tpu.memory_space<vmem>>, vector<1x16xf32>,
        %mul3A_156 = arith.constant 5.000000e-03 : f32
        %mul3A_157 = vector.broadcast %mul3A_156 : f32 to vector<16xf32>
        %mul3A_158 = arith.mulf %scan3A_146#1, %mul3A_157 : vector<16xf32>
        %swap3A_159 = arith.index_cast %add3A_139 : i32 to index
        %swap3A_160 = arith.constant 16 : index
        %swap3A_161 = tpu.vector_load %arg10[%swap3A_159, %swap3A_160] {strides = array<i32>} : memref<512x32xf32, #tpu.memory_space<vmem>>, vector<1x16xf32>,
        %swap3A_162 = vector.shape_cast %swap3A_161 : vector<1x16xf32> to vector<16xf32>
        %swap3A_163 = vector.shape_cast %mul3A_158 : vector<16xf32> to vector<1x16xf32>
        tpu.vector_store %arg10[%swap3A_159, %swap3A_160], %swap3A_163 {strides = array<i32>} : memref<512x32xf32, #tpu.memory_space<vmem>>, vector<1x16xf32>,
        %add3A_164 = arith.constant 4 : i32
        %add3A_165 = arith.addi %add3A_129, %add3A_164 : i32
        %sub3A_166 = arith.constant 1 : i32
        %sub3A_167 = arith.subi %add3A_165, %sub3A_166 : i32
        %lt3A_168 = arith.constant 128 : i32
        %lt3A_169 = arith.cmpi slt, %sub3A_167, %lt3A_168 : i32
        %convert_element_type3A_170 = arith.extui %lt3A_169 : i1 to i32
        %cond3A_171 = arith.constant 0 : i32
        %cond3A_172 = arith.cmpi ne, %convert_element_type3A_170, %cond3A_171 : i32
        scf.if %cond3A_172 {
          %add3A_218 = arith.constant 4 : i32
          %add3A_219 = arith.addi %add3A_129, %add3A_218 : i32
          %sub3A_220 = arith.constant 1 : i32
          %sub3A_221 = arith.subi %add3A_219, %sub3A_220 : i32
          %dma_start3A_222 = arith.constant 0 : i32
          %dma_start3A_223 = tpu.memref_slice %arg5[%sub3A_221, %dma_start3A_222] : memref<128x200xi32, #tpu.memory_space<vmem>> -> memref<1x200xi32, #tpu.memory_space<vmem>>
          %dma_start3A_224 = tpu.memref_squeeze %dma_start3A_223 : memref<1x200xi32, #tpu.memory_space<vmem>> -> memref<200xi32, #tpu.memory_space<vmem>>
          %dma_start3A_225 = arith.constant 0 : i32
          %dma_start3A_226 = arith.constant 0 : i32
          %dma_start3A_227 = tpu.memref_slice %arg3[%dma_start3A_225, %dma_start3A_226] : memref<1000000x32xf32, #tpu.memory_space<hbm>> -> memref<1000000x32xf32, #tpu.memory_space<hbm>>
          tpu.enqueue_indirect_dma source(%dma_start3A_227 : memref<1000000x32xf32, #tpu.memory_space<hbm>>) target(%arg7 : memref<200x32xf32, #tpu.memory_space<vmem>>) offsets(%dma_start3A_224 : memref<200xi32, #tpu.memory_space<vmem>>) semaphore(%arg12 : memref<!tpu.dma_semaphore, #tpu.memory_space<semaphore_mem>>)
        } else {
        }
        %add3A_173 = arith.constant 3 : i32
        %add3A_174 = arith.addi %add3A_44, %add3A_173 : i32
        %dma_wait3A_175 = arith.constant 0 : i32
        %dma_wait3A_176 = arith.constant 0 : i32
        %dma_wait3A_177 = tpu.memref_slice %arg5[%dma_wait3A_175, %dma_wait3A_176] : memref<128x200xi32, #tpu.memory_space<vmem>> -> memref<1x200xi32, #tpu.memory_space<vmem>>
        %dma_wait3A_178 = tpu.memref_squeeze %dma_wait3A_177 : memref<1x200xi32, #tpu.memory_space<vmem>> -> memref<200xi32, #tpu.memory_space<vmem>>
        %dma_wait3A_179 = arith.constant 0 : i32
        %dma_wait3A_180 = arith.constant 0 : i32
        %dma_wait3A_181 = tpu.memref_slice %arg3[%dma_wait3A_179, %dma_wait3A_180] : memref<1000000x32xf32, #tpu.memory_space<hbm>> -> memref<1000000x32xf32, #tpu.memory_space<hbm>>
        tpu.wait_indirect_dma semaphore(%arg14 : memref<!tpu.dma_semaphore, #tpu.memory_space<semaphore_mem>>) src(%dma_wait3A_181 : memref<1000000x32xf32, #tpu.memory_space<hbm>>) dst(%arg9 : memref<200x32xf32, #tpu.memory_space<vmem>>)
        %mul3A_182 = arith.constant 128 : i32
        %mul3A_183 = arith.muli %add3A_11, %mul3A_182 : i32
        %add3A_184 = arith.addi %mul3A_183, %add3A_174 : i32
        %broadcast_in_dim3A_185 = arith.constant 0.000000e+00 : f32
        %broadcast_in_dim3A_186 = vector.broadcast %broadcast_in_dim3A_185 : f32 to vector<16xf32>
        %scan3A_187 = arith.constant 0 : i32
        %scan3A_188 = arith.constant 25 : i32
        %scan3A_189 = arith.addi %scan3A_187, %scan3A_188 : i32
        %scan3A_190 = arith.constant 1 : i32
        %scan3A_191:2 = scf.for %scan3A_218 = %scan3A_187 to %scan3A_189 step %scan3A_190 iter_args(%scan3A_219 = %broadcast_in_dim3A_186, %scan3A_220 = %broadcast_in_dim3A_186) -> (vector<16xf32>, vector<16xf32>)  : i32 {
          %mul3A_221 = arith.constant 8 : i32
          %mul3A_222 = arith.muli %scan3A_218, %mul3A_221 : i32
          %add3A_223 = arith.constant 0 : i32
          %add3A_224 = arith.addi %mul3A_222, %add3A_223 : i32
          %get3A = arith.index_cast %add3A_224 : i32 to index
          %get3A_225 = arith.constant 0 : index
          %get3A_226 = tpu.vector_load %arg9[%get3A, %get3A_225] {strides = array<i32>} : memref<200x32xf32, #tpu.memory_space<vmem>>, vector<1x16xf32>,
          %get3A_227 = vector.shape_cast %get3A_226 : vector<1x16xf32> to vector<16xf32>
          %add3A_228 = arith.constant 1 : i32
          %add3A_229 = arith.addi %mul3A_222, %add3A_228 : i32
          %get3A_230 = arith.index_cast %add3A_229 : i32 to index
          %get3A_231 = arith.constant 0 : index
          %get3A_232 = tpu.vector_load %arg9[%get3A_230, %get3A_231] {strides = array<i32>} : memref<200x32xf32, #tpu.memory_space<vmem>>, vector<1x16xf32>,
          %get3A_233 = vector.shape_cast %get3A_232 : vector<1x16xf32> to vector<16xf32>
          %add3A_234 = arith.constant 2 : i32
          %add3A_235 = arith.addi %mul3A_222, %add3A_234 : i32
          %get3A_236 = arith.index_cast %add3A_235 : i32 to index
          %get3A_237 = arith.constant 0 : index
          %get3A_238 = tpu.vector_load %arg9[%get3A_236, %get3A_237] {strides = array<i32>} : memref<200x32xf32, #tpu.memory_space<vmem>>, vector<1x16xf32>,
          %get3A_239 = vector.shape_cast %get3A_238 : vector<1x16xf32> to vector<16xf32>
          %add3A_240 = arith.constant 3 : i32
          %add3A_241 = arith.addi %mul3A_222, %add3A_240 : i32
          %get3A_242 = arith.index_cast %add3A_241 : i32 to index
          %get3A_243 = arith.constant 0 : index
          %get3A_244 = tpu.vector_load %arg9[%get3A_242, %get3A_243] {strides = array<i32>} : memref<200x32xf32, #tpu.memory_space<vmem>>, vector<1x16xf32>,
          %get3A_245 = vector.shape_cast %get3A_244 : vector<1x16xf32> to vector<16xf32>
          %add3A_246 = arith.constant 4 : i32
          %add3A_247 = arith.addi %mul3A_222, %add3A_246 : i32
          %get3A_248 = arith.index_cast %add3A_247 : i32 to index
          %get3A_249 = arith.constant 0 : index
          %get3A_250 = tpu.vector_load %arg9[%get3A_248, %get3A_249] {strides = array<i32>} : memref<200x32xf32, #tpu.memory_space<vmem>>, vector<1x16xf32>,
          %get3A_251 = vector.shape_cast %get3A_250 : vector<1x16xf32> to vector<16xf32>
          %add3A_252 = arith.constant 5 : i32
          %add3A_253 = arith.addi %mul3A_222, %add3A_252 : i32
          %get3A_254 = arith.index_cast %add3A_253 : i32 to index
          %get3A_255 = arith.constant 0 : index
          %get3A_256 = tpu.vector_load %arg9[%get3A_254, %get3A_255] {strides = array<i32>} : memref<200x32xf32, #tpu.memory_space<vmem>>, vector<1x16xf32>,
          %get3A_257 = vector.shape_cast %get3A_256 : vector<1x16xf32> to vector<16xf32>
          %add3A_258 = arith.constant 6 : i32
          %add3A_259 = arith.addi %mul3A_222, %add3A_258 : i32
          %get3A_260 = arith.index_cast %add3A_259 : i32 to index
          %get3A_261 = arith.constant 0 : index
          %get3A_262 = tpu.vector_load %arg9[%get3A_260, %get3A_261] {strides = array<i32>} : memref<200x32xf32, #tpu.memory_space<vmem>>, vector<1x16xf32>,
          %get3A_263 = vector.shape_cast %get3A_262 : vector<1x16xf32> to vector<16xf32>
          %add3A_264 = arith.constant 7 : i32
          %add3A_265 = arith.addi %mul3A_222, %add3A_264 : i32
          %get3A_266 = arith.index_cast %add3A_265 : i32 to index
          %get3A_267 = arith.constant 0 : index
          %get3A_268 = tpu.vector_load %arg9[%get3A_266, %get3A_267] {strides = array<i32>} : memref<200x32xf32, #tpu.memory_space<vmem>>, vector<1x16xf32>,
          %get3A_269 = vector.shape_cast %get3A_268 : vector<1x16xf32> to vector<16xf32>
          %add3A_270 = arith.constant 0 : i32
          %add3A_271 = arith.addi %mul3A_222, %add3A_270 : i32
          %get3A_272 = arith.index_cast %add3A_271 : i32 to index
          %get3A_273 = arith.constant 16 : index
          %get3A_274 = tpu.vector_load %arg9[%get3A_272, %get3A_273] {strides = array<i32>} : memref<200x32xf32, #tpu.memory_space<vmem>>, vector<1x16xf32>,
          %get3A_275 = vector.shape_cast %get3A_274 : vector<1x16xf32> to vector<16xf32>
          %add3A_276 = arith.constant 1 : i32
          %add3A_277 = arith.addi %mul3A_222, %add3A_276 : i32
          %get3A_278 = arith.index_cast %add3A_277 : i32 to index
          %get3A_279 = arith.constant 16 : index
          %get3A_280 = tpu.vector_load %arg9[%get3A_278, %get3A_279] {strides = array<i32>} : memref<200x32xf32, #tpu.memory_space<vmem>>, vector<1x16xf32>,
          %get3A_281 = vector.shape_cast %get3A_280 : vector<1x16xf32> to vector<16xf32>
          %add3A_282 = arith.constant 2 : i32
          %add3A_283 = arith.addi %mul3A_222, %add3A_282 : i32
          %get3A_284 = arith.index_cast %add3A_283 : i32 to index
          %get3A_285 = arith.constant 16 : index
          %get3A_286 = tpu.vector_load %arg9[%get3A_284, %get3A_285] {strides = array<i32>} : memref<200x32xf32, #tpu.memory_space<vmem>>, vector<1x16xf32>,
          %get3A_287 = vector.shape_cast %get3A_286 : vector<1x16xf32> to vector<16xf32>
          %add3A_288 = arith.constant 3 : i32
          %add3A_289 = arith.addi %mul3A_222, %add3A_288 : i32
          %get3A_290 = arith.index_cast %add3A_289 : i32 to index
          %get3A_291 = arith.constant 16 : index
          %get3A_292 = tpu.vector_load %arg9[%get3A_290, %get3A_291] {strides = array<i32>} : memref<200x32xf32, #tpu.memory_space<vmem>>, vector<1x16xf32>,
          %get3A_293 = vector.shape_cast %get3A_292 : vector<1x16xf32> to vector<16xf32>
          %add3A_294 = arith.constant 4 : i32
          %add3A_295 = arith.addi %mul3A_222, %add3A_294 : i32
          %get3A_296 = arith.index_cast %add3A_295 : i32 to index
          %get3A_297 = arith.constant 16 : index
          %get3A_298 = tpu.vector_load %arg9[%get3A_296, %get3A_297] {strides = array<i32>} : memref<200x32xf32, #tpu.memory_space<vmem>>, vector<1x16xf32>,
          %get3A_299 = vector.shape_cast %get3A_298 : vector<1x16xf32> to vector<16xf32>
          %add3A_300 = arith.constant 5 : i32
          %add3A_301 = arith.addi %mul3A_222, %add3A_300 : i32
          %get3A_302 = arith.index_cast %add3A_301 : i32 to index
          %get3A_303 = arith.constant 16 : index
          %get3A_304 = tpu.vector_load %arg9[%get3A_302, %get3A_303] {strides = array<i32>} : memref<200x32xf32, #tpu.memory_space<vmem>>, vector<1x16xf32>,
          %get3A_305 = vector.shape_cast %get3A_304 : vector<1x16xf32> to vector<16xf32>
          %add3A_306 = arith.constant 6 : i32
          %add3A_307 = arith.addi %mul3A_222, %add3A_306 : i32
          %get3A_308 = arith.index_cast %add3A_307 : i32 to index
          %get3A_309 = arith.constant 16 : index
          %get3A_310 = tpu.vector_load %arg9[%get3A_308, %get3A_309] {strides = array<i32>} : memref<200x32xf32, #tpu.memory_space<vmem>>, vector<1x16xf32>,
          %get3A_311 = vector.shape_cast %get3A_310 : vector<1x16xf32> to vector<16xf32>
          %add3A_312 = arith.constant 7 : i32
          %add3A_313 = arith.addi %mul3A_222, %add3A_312 : i32
          %get3A_314 = arith.index_cast %add3A_313 : i32 to index
          %get3A_315 = arith.constant 16 : index
          %get3A_316 = tpu.vector_load %arg9[%get3A_314, %get3A_315] {strides = array<i32>} : memref<200x32xf32, #tpu.memory_space<vmem>>, vector<1x16xf32>,
          %get3A_317 = vector.shape_cast %get3A_316 : vector<1x16xf32> to vector<16xf32>
          %add3A_318 = arith.addf %get3A_227, %get3A_233 : vector<16xf32>
          %add3A_319 = arith.addf %get3A_239, %get3A_245 : vector<16xf32>
          %add3A_320 = arith.addf %get3A_251, %get3A_257 : vector<16xf32>
          %add3A_321 = arith.addf %get3A_263, %get3A_269 : vector<16xf32>
          %add3A_322 = arith.addf %add3A_318, %add3A_319 : vector<16xf32>
          %add3A_323 = arith.addf %add3A_320, %add3A_321 : vector<16xf32>
          %add3A_324 = arith.addf %add3A_322, %add3A_323 : vector<16xf32>
          %add3A_325 = arith.addf %scan3A_219, %add3A_324 : vector<16xf32>
          %add3A_326 = arith.addf %get3A_275, %get3A_281 : vector<16xf32>
          %add3A_327 = arith.addf %get3A_287, %get3A_293 : vector<16xf32>
          %add3A_328 = arith.addf %get3A_299, %get3A_305 : vector<16xf32>
          %add3A_329 = arith.addf %get3A_311, %get3A_317 : vector<16xf32>
          %add3A_330 = arith.addf %add3A_326, %add3A_327 : vector<16xf32>
          %add3A_331 = arith.addf %add3A_328, %add3A_329 : vector<16xf32>
          %add3A_332 = arith.addf %add3A_330, %add3A_331 : vector<16xf32>
          %add3A_333 = arith.addf %scan3A_220, %add3A_332 : vector<16xf32>
          scf.yield %add3A_325, %add3A_333 : vector<16xf32>, vector<16xf32>
        }
        %scan3A_192 = arith.constant 25 : i32
        %mul3A_193 = arith.constant 5.000000e-03 : f32
        %mul3A_194 = vector.broadcast %mul3A_193 : f32 to vector<16xf32>
        %mul3A_195 = arith.mulf %scan3A_191#0, %mul3A_194 : vector<16xf32>
        %swap3A_196 = arith.index_cast %add3A_184 : i32 to index
        %swap3A_197 = arith.constant 0 : index
        %swap3A_198 = tpu.vector_load %arg10[%swap3A_196, %swap3A_197] {strides = array<i32>} : memref<512x32xf32, #tpu.memory_space<vmem>>, vector<1x16xf32>,
        %swap3A_199 = vector.shape_cast %swap3A_198 : vector<1x16xf32> to vector<16xf32>
        %swap3A_200 = vector.shape_cast %mul3A_195 : vector<16xf32> to vector<1x16xf32>
        tpu.vector_store %arg10[%swap3A_196, %swap3A_197], %swap3A_200 {strides = array<i32>} : memref<512x32xf32, #tpu.memory_space<vmem>>, vector<1x16xf32>,
        %mul3A_201 = arith.constant 5.000000e-03 : f32
        %mul3A_202 = vector.broadcast %mul3A_201 : f32 to vector<16xf32>
        %mul3A_203 = arith.mulf %scan3A_191#1, %mul3A_202 : vector<16xf32>
        %swap3A_204 = arith.index_cast %add3A_184 : i32 to index
        %swap3A_205 = arith.constant 16 : index
        %swap3A_206 = tpu.vector_load %arg10[%swap3A_204, %swap3A_205] {strides = array<i32>} : memref<512x32xf32, #tpu.memory_space<vmem>>, vector<1x16xf32>,
        %swap3A_207 = vector.shape_cast %swap3A_206 : vector<1x16xf32> to vector<16xf32>
        %swap3A_208 = vector.shape_cast %mul3A_203 : vector<16xf32> to vector<1x16xf32>
        tpu.vector_store %arg10[%swap3A_204, %swap3A_205], %swap3A_208 {strides = array<i32>} : memref<512x32xf32, #tpu.memory_space<vmem>>, vector<1x16xf32>,
        %add3A_209 = arith.constant 4 : i32
        %add3A_210 = arith.addi %add3A_174, %add3A_209 : i32
        %sub3A_211 = arith.constant 1 : i32
        %sub3A_212 = arith.subi %add3A_210, %sub3A_211 : i32
        %lt3A_213 = arith.constant 128 : i32
        %lt3A_214 = arith.cmpi slt, %sub3A_212, %lt3A_213 : i32
        %convert_element_type3A_215 = arith.extui %lt3A_214 : i1 to i32
        %cond3A_216 = arith.constant 0 : i32
        %cond3A_217 = arith.cmpi ne, %convert_element_type3A_215, %cond3A_216 : i32
        scf.if %cond3A_217 {
          %add3A_218 = arith.constant 4 : i32
          %add3A_219 = arith.addi %add3A_174, %add3A_218 : i32
          %sub3A_220 = arith.constant 1 : i32
          %sub3A_221 = arith.subi %add3A_219, %sub3A_220 : i32
          %dma_start3A_222 = arith.constant 0 : i32
          %dma_start3A_223 = tpu.memref_slice %arg5[%sub3A_221, %dma_start3A_222] : memref<128x200xi32, #tpu.memory_space<vmem>> -> memref<1x200xi32, #tpu.memory_space<vmem>>
          %dma_start3A_224 = tpu.memref_squeeze %dma_start3A_223 : memref<1x200xi32, #tpu.memory_space<vmem>> -> memref<200xi32, #tpu.memory_space<vmem>>
          %dma_start3A_225 = arith.constant 0 : i32
          %dma_start3A_226 = arith.constant 0 : i32
          %dma_start3A_227 = tpu.memref_slice %arg3[%dma_start3A_225, %dma_start3A_226] : memref<1000000x32xf32, #tpu.memory_space<hbm>> -> memref<1000000x32xf32, #tpu.memory_space<hbm>>
          tpu.enqueue_indirect_dma source(%dma_start3A_227 : memref<1000000x32xf32, #tpu.memory_space<hbm>>) target(%arg8 : memref<200x32xf32, #tpu.memory_space<vmem>>) offsets(%dma_start3A_224 : memref<200xi32, #tpu.memory_space<vmem>>) semaphore(%arg13 : memref<!tpu.dma_semaphore, #tpu.memory_space<semaphore_mem>>)
        } else {
        }
      }
      %scan3A_39 = arith.constant 32 : i32
    }
    %scan3A_6 = arith.constant 4 : i32
    "tpu.region"() ({
      %run_scoped3A = tpu.sem_alloc : memref<!tpu.dma_semaphore, #tpu.memory_space<semaphore_mem>>
      %dma_start3A = arith.constant 0 : i32
      %dma_start3A_7 = tpu.memref_slice %arg4[%mul3A_2, %dma_start3A] : memref<16384x32xf32, #tpu.memory_space<hbm>> -> memref<512x32xf32, #tpu.memory_space<hbm>>
      %dma_start3A_8 = arith.constant 0 : i32
      %dma_start3A_9 = tpu.memref_slice %arg4[%mul3A_2, %dma_start3A_8] : memref<16384x32xf32, #tpu.memory_space<hbm>> -> memref<512x32xf32, #tpu.memory_space<hbm>>
      tpu.enqueue_dma source(%arg10 : memref<512x32xf32, #tpu.memory_space<vmem>>) target(%dma_start3A_9 : memref<512x32xf32, #tpu.memory_space<hbm>>) target_semaphore(%run_scoped3A : memref<!tpu.dma_semaphore, #tpu.memory_space<semaphore_mem>>)
      %dma_wait3A = arith.constant 0 : i32
      %dma_wait3A_10 = tpu.memref_slice %arg4[%mul3A_2, %dma_wait3A] : memref<16384x32xf32, #tpu.memory_space<hbm>> -> memref<512x32xf32, #tpu.memory_space<hbm>>
      %dma_wait3A_11 = arith.constant 0 : i32
      %dma_wait3A_12 = tpu.memref_slice %arg4[%mul3A_2, %dma_wait3A_11] : memref<16384x32xf32, #tpu.memory_space<hbm>> -> memref<512x32xf32, #tpu.memory_space<hbm>>
      tpu.wait_dma2 semaphore(%run_scoped3A : memref<!tpu.dma_semaphore, #tpu.memory_space<semaphore_mem>>) src(%arg10 : memref<512x32xf32, #tpu.memory_space<vmem>>) dst(%dma_wait3A_12 : memref<512x32xf32, #tpu.memory_space<hbm>>)
      tpu.yield
    }) : () -> ()
    return
  }
}

</mosaic_0001>

<sc_bundles>
// kernel: kernel.3.cloned.1.call-start
scs
__scs_entry_jumppad:
0x0: {  	(pc) =	sbr.rel $0x88, $3  }
0x1: {  	(tag) =	ssettag $0x0;
	lr =	simm.s32 $0x1  }
0x2: {  	[smem:$0x3F9F] =	sst lr;
	_ =	strace $0xD0000000  }
0x3: {  	_ = 	snop  }
0x4: {  	_ = 	snop  }
0x5: {  	_ = 	snop  }
0x6: {  	_ = 	snop  }
0x7: {  	_ = 	snop  }
__scs_overlays_trampoline_lowered:
0x8: {  	[smem:$0x3FAE] =	sst s0  }
0x9: {  	[smem:$0x3FAF] =	sst s1  }
0xa: {  	[smem:$0x3FB0] =	sst s2  }
0xb: {  	[smem:$0x3FB1] =	sst s3  }
0xc: {  	[smem:$0x3FB2] =	sst s4  }
0xd: {  	[smem:$0x3FB3] =	sst s5  }
0xe: {  	[smem:$0x3FB4] =	sst s6  }
0xf: {  	[smem:$0x3FB5] =	sst s7  }
0x10: {  	[smem:$0x3FB6] =	sst s8  }
0x11: {  	[smem:$0x3FB7] =	sst s9;
	s0 =	simm.s32 @!p0 $0x0  }
0x12: {  	s1 =	sld [smem:$0x3F9D];
	s0 =	simm.s32 @p0 $0x1  }
0x13: {  	[smem:$0x3FB8] =	sst s0;
	s0 =	simm.s32 @!p1 $0x0  }
0x14: {  	s2 =	sld [smem:$0x3F9C];
	s0 =	simm.s32 @p1 $0x1  }
0x15: {  	[smem:$0x3FB9] =	sst s0;
	s0 =	simm.s32 @!p2 $0x0  }
0x16: {  	s3 =	sld [smem:$0x3FDB];
	s0 =	simm.s32 @p2 $0x1  }
0x17: {  	s4 =	simm.s32 $0x1BF5;
	[smem:$0x3FBB] =	sst s0  }
0x18: {  	s0 =	sld [smem:$0x3F9E];
	_ =	swait.ge [sflag:s4], $0x0  }
0x19: {  	s7 =	sld [smem:$0x3F9F]  }
0x1a: {  	s8 =	sadd.s32 $0xFFFFE003, lr  }
0x1b: {  	s9 =	sadd.s32 $0xFFFFFEF7, lr;
	s5 =	simm.s32 $0xFFFFFFFF;
	p2 =	slt.u32 s8, $0xFFFFF086  }
0x1c: {  	p1 =	slt.u32 s9, $0xF7A;
	s5 =	simm.s32 @!p2 $0x0  }
0x1d: {  	s5 =	simm.s32 @p1 $0x1;
	p0 =	seq.s32 s7, s2  }
0x1e: {  	s7 =	smul.u32 @!p0 $0xF7A, s2;
	p2 =	seq.s32 @!p0 s5, $0x0  }
0x1f: {  	s9 =	smul.u32 $0xF7A, s1;
	s8 =	simm.s32 @!p0 $0x1BF5;
	p2 =	por !p2, p0  }
0x20: {  	[sflag:s8] =	ssyncset.s32 @!p0 $0xFFFFF086;
	s6 =	sadd.s32 @!p0 s3, s7;
	s7 =	simm.s32 @!p0 $0x108  }
0x21: {  	s3 =	sadd.s32 s3, s9;
	s6 =	sadd.s32 @!p0 $0x88, s6;
	s7 =	simm.s32 @p2 $0x1082  }
0x22: {  	[simem:s7], [sflag:s8] =	dma.local @!p0 [hbm:s6], $0xF7A  }
0x23: {  	s9 =	sor.u32 $0xD0000000, s2;
	s6 =	simm.s32 $0x108;
	_ =	swait.ge @!p0 [sflag:s8], $0x0  }
0x24: {  	s3 =	sadd.s32 $0x88, s3;
	s6 =	simm.s32 @!p1 $0x1082;
	[sflag:s4] =	ssyncset.s32 $0xFFFFF086  }
0x25: {  	[simem:s6], [sflag:s4] =	dma.local [hbm:s3], $0xF7A  }
0x26: {  	[smem:$0x3F9F] =	sst s1;
	(tag) =	ssettag s2;
	_ =	strace s9  }
0x27: {  	s1 =	sld [smem:$0x3FAF]  }
0x28: {  	s2 =	sld [smem:$0x3FB0]  }
0x29: {  	s4 =	sld [smem:$0x3FB2]  }
0x2a: {  	p0 =	seq.s32 s5, $0x0;
	s5 =	sld [smem:$0x3FB3]  }
0x2b: {  	s6 =	sld [smem:$0x3FB4]  }
0x2c: {  	s7 =	sld [smem:$0x3FB5]  }
0x2d: {  	s3 =	simm.s32 $0x108;
	s8 =	sld [smem:$0x3FB6]  }
0x2e: {  	s3 =	simm.s32 @!p0 $0x1082;
	s9 =	sld [smem:$0x3FB7]  }
0x2f: {  	lr =	sadd.s32 s0, s3;
	s0 =	sld [smem:$0x3FAE]  }
0x30: {  	s3 =	sld [smem:$0x3FB1]  }
0x31: {  	[smem:$0x3FBA] =	sst s10  }
0x32: {  	s10 =	sld [smem:$0x3FB8];
	_ =	sdelay $0x3  }
0x33: {  	p0 =	seq.s32 s10, $0x1;
	s10 =	sld [smem:$0x3FBA];
	_ =	sdelay $0x3  }
0x34: {  	[smem:$0x3FBA] =	sst s10  }
0x35: {  	s10 =	sld [smem:$0x3FB9];
	_ =	sdelay $0x3  }
0x36: {  	p1 =	seq.s32 s10, $0x1;
	s10 =	sld [smem:$0x3FBA];
	_ =	sdelay $0x3  }
0x37: {  	[smem:$0x3FBA] =	sst s10  }
0x38: {  	s10 =	sld [smem:$0x3FBB]  }
0x39: {  	_ = 	snop;
	(pc) =	sbr.ind lr, $3  }
0x3a: {  	_ = 	snop  }
0x3b: {  	_ = 	snop  }
0x3c: {  	p2 =	seq.s32 s10, $0x1;
	s10 =	sld [smem:$0x3FBA]  }
0x3d: {  	_ =	shalt  }
0x3e: {  	_ =	shalt  }
0x3f: {  	_ =	shalt  }
0x40: {  	_ =	shalt  }
0x41: {  	_ =	shalt  }
0x42: {  	_ =	shalt  }
0x43: {  	_ =	shalt  }
0x44: {  	_ =	shalt  }
0x45: {  	_ =	shalt  }
0x46: {  	_ =	shalt  }
0x47: {  	_ =	shalt  }
0x48: {  	_ =	shalt  }
0x49: {  	_ =	shalt  }
0x4a: {  	_ =	shalt  }
0x4b: {  	_ =	shalt  }
0x4c: {  	_ =	shalt  }
0x4d: {  	_ =	shalt  }
0x4e: {  	_ =	shalt  }
0x4f: {  	_ =	shalt  }
0x50: {  	_ =	shalt  }
0x51: {  	_ =	shalt  }
0x52: {  	_ =	shalt  }
0x53: {  	_ =	shalt  }
0x54: {  	_ =	shalt  }
0x55: {  	_ =	shalt  }
0x56: {  	_ =	shalt  }
0x57: {  	_ =	shalt  }
0x58: {  	_ =	shalt  }
0x59: {  	_ =	shalt  }
0x5a: {  	_ =	shalt  }
0x5b: {  	_ =	shalt  }
0x5c: {  	_ =	shalt  }
0x5d: {  	_ =	shalt  }
0x5e: {  	_ =	shalt  }
0x5f: {  	_ =	shalt  }
0x60: {  	_ =	shalt  }
0x61: {  	_ =	shalt  }
0x62: {  	_ =	shalt  }
0x63: {  	_ =	shalt  }
0x64: {  	_ =	shalt  }
0x65: {  	_ =	shalt  }
0x66: {  	_ =	shalt  }
0x67: {  	_ =	shalt  }
0x68: {  	_ =	shalt  }
0x69: {  	_ =	shalt  }
0x6a: {  	_ =	shalt  }
0x6b: {  	_ =	shalt  }
0x6c: {  	_ =	shalt  }
0x6d: {  	_ =	shalt  }
0x6e: {  	_ =	shalt  }
0x6f: {  	_ =	shalt  }
0x70: {  	_ =	shalt  }
0x71: {  	_ =	shalt  }
0x72: {  	_ =	shalt  }
0x73: {  	_ =	shalt  }
0x74: {  	_ =	shalt  }
0x75: {  	_ =	shalt  }
0x76: {  	_ =	shalt  }
0x77: {  	_ =	shalt  }
0x78: {  	_ =	shalt  }
0x79: {  	_ =	shalt  }
0x7a: {  	_ =	shalt  }
0x7b: {  	_ =	shalt  }
0x7c: {  	_ =	shalt  }
0x7d: {  	_ =	shalt  }
0x7e: {  	_ =	shalt  }
0x7f: {  	_ =	shalt  }
0x80: {  	_ =	shalt  }
0x81: {  	_ =	shalt  }
0x82: {  	_ =	shalt  }
0x83: {  	_ =	shalt  }
0x84: {  	_ =	shalt  }
0x85: {  	_ =	shalt  }
0x86: {  	_ =	shalt  }
0x87: {  	_ =	shalt  }
.Lfunc_end0:
.L_simem_size_0:
called_computation_lowered:
.L_overlay_start_0:
0x88: {  	s2 =	sld [smem:$0x3FD9]  }
0x89: {  	s3 =	sld [smem:$0x3FFE];
	_ =	sdelay $0x1  }
0x8a: {  	s1 =	srdreg.scid  }
0x8b: {  	s0 =	sand.u32 $0x1, s1  }
0x8c: {  	s17 =	sshll.u32 s0, $0xA;
	s2 =	sadd.s32 s3, s2  }
0x8d: {  	s2 =	sadd.s32 s2, s17  }
0x8e: {  	[smem:$0x3FC6] =	sst s2  }
0x8f: {  	_ = 	snop  }
0x90: {  	s2 =	sld [smem:$0x3FD0];
	(tm) =	ssettm $0x1  }
0x91: {  	s18 =	sld [smem:$0x3FFB];
	_ =	sdelay $0x3  }
0x92: {  	_ =	strace s18  }
0x93: {  	s3 =	sld [smem:$0x3FFC];
	_ =	sdelay $0x3  }
0x94: {  	_ =	strace s3  }
0x95: {  	s3 =	sld [smem:$0x3FFD];
	_ =	sdelay $0x3  }
0x96: {  	_ =	strace s3  }
0x97: {  	_ =	strace $0x8FFFFFFF  }
0x98: {  	s19 =	sld [smem:$0x3FDB];
	_ =	sdelay $0x1  }
0x99: {  	s4 =	simm.s32 $_scs_section_size  }
0x9a: {  	s5 =	simm.s32 $_size__tile_overlayer_lowered;
	s6 =	simm.s32 $_tile_overlayer_lowered  }
0x9b: {  	s22 =	simm.s32 $0x1BFF;
	s21 =	sshll.u32 s6, $0x1;
	s3 =	sadd.s32 s4, s19  }
0x9c: {  	s7 =	simm.s32 $0x0;
	s20 =	sshll.u32 s5, $0x1;
	s5 =	sadd.s32 s21, s3  }
0x9d: {  	[timem:s7], [sflag:s22] =	dma.local [hbm:s5], s20  }
0x9e: {  	_ =	swait.ge [sflag:s22], s20  }
0x9f: {  	s4 =	ssub.s32 $0x0, s20;
	[sflag:s22] =	ssyncset.done $0x0  }
0xa0: {  	[sflag:s22] =	ssyncadd.s32 s4;
	_ =	sdelay $0x1  }
0xa1: {  	s23 =	simm.s32 $0x1B8B  }
0xa2: {  	_ =	swait.ge [sflag:s23], $0x1  }
0xa3: {  	[sflag:s23] =	ssyncset.done $0x0  }
0xa4: {  	s25 =	simm.s32 $0x1B8E;
	s24 =	sld [smem:$0x3FFE];
	[sflag:s23] =	ssyncadd.s32 $0xFFFFFFFF  }
0xa5: {  	s26 =	simm.s32 $execute0_lowered;
	[smem:$0x3FD2] =	sst s25  }
0xa6: {  	s5 =	sshll.u32 s26, $0x1;
	_ =	strace $0x80000046;
	[dreg:$0x1] =	wrdreg $0xFFFFFFFF  }
0xa7: {  	s28 =	simm.s32 $_size_execute0_lowered;
	s3 =	sadd.s32 s3, s5;
	[dreg:$0x0] =	wrdreg $0x0  }
0xa8: {  	s5 =	sshll.u32 s28, $0x1;
	[dreg:$0x2] =	wrdreg s3  }
0xa9: {  	[dreg:$0x3] =	wrdreg s5  }
0xaa: {  	[dreg:$0x4] =	wrdreg $0xC0  }
0xab: {  	_ =	task [dreg:s7], $0x5FFFF  }
0xac: {  	[dreg:$0x1] =	wrdreg $0xFFFFFFFF  }
0xad: {  	[dreg:$0x0] =	wrdreg $0x60  }
0xae: {  	[dreg:$0x2] =	wrdreg s24  }
0xaf: {  	[dreg:$0x3] =	wrdreg s2  }
0xb0: {  	[dreg:$0x4] =	wrdreg $0x9  }
0xb1: {  	_ =	task.clear_ibuf [dreg:s7], $0x5FFFF;
	_ =	strace $0x90000046  }
0xb2: {  	s29 =	simm.s32 $0x9;
	_ =	strace $0x80000048  }
0xb3: {  	_ =	swait.ge [sflag:s29], $0x1  }
0xb4: {  	[sflag:s29] =	ssyncadd.s32 $0xFFFFFFFF  }
0xb5: {  	_ =	strace $0x90000048  }
0xb6: {  	_ =	sfence  }
0xb7: {  	s30 =	sld [smem:$0x0];
	_ =	sdelay $0x2  }
0xb8: {  	s31 =	sshll.u32 s1, $0xD;
	s1 =	sshrl.u32 s1, $0x2  }
0xb9: {  	s3 =	sand.u32 $0x4000, s31;
	s1 =	sadd.s32 s1, s30  }
0xba: {  	s0 =	sor.u32 s3, s0;
	s1 =	sshll.u32 s1, $0x11  }
0xbb: {  	s0 =	sor.u32 s1, s0  }
0xbc: {  	s0 =	sadd.s32 $0x8F2B, s0  }
0xbd: {  	[sflag:s0] =	ssyncadd.remote.s32 $0x1  }
0xbe: {  	_ =	sfence.sel $0xFFFF  }
0xbf: {  	[dreg:$0x0] =	wrdreg $0xFFFFFFFF;
	(pc) =	sbr.abs _section_cstart, $3  }
0xc0: {  	[dreg:$0x1] =	wrdreg $0xFFFFFFFF  }
0xc1: {  	_ =	task.clear_ibuf [dreg:s7], $0x2FFFF;
	_ =	strace $0x9FFFFFFF  }
0xc2: {  	(tm) =	ssettm $0x7FFFFFFF  }
0xc3: {  	_ =	shalt  }
tec
execute0_lowered:
.L_overlay_start_1:
0x0: {  	(tag) =	ssettag $0x1  }
0x1: {  	s5 =	rddreg [dreg:$0x0]  }
0x2: {  	s6 =	rddreg [dreg:$0x1]  }
0x3: {  	s0 =	rddreg [dreg:$0x2];
	s2 =	simm.s32 $0x0  }
0x4: {  	s3 =	srdreg.scid;
	s1 =	stileid.u32;
	s10 =	simm.s32 $0x6400  }
0x5: {  	s11 =	simm.s32 $0x7D00;
	s12 =	simm.s32 $0x190;
	s13 =	simm.s32 $0x9600  }
0x6: {  	s14 =	simm.s32 $0x1;
	s15 =	simm.s32 $0xAF00;
	s16 =	simm.s32 $0x2  }
0x7: {  	s17 =	simm.s32 $0x3;
	s18 =	simm.s32 $0x4;
	s19 =	simm.s32 $0xC800  }
0x8: {  	s20 =	simm.s32 $0x0;
	[smem:$0x7FF] =	sst s2;
	s3 =	sand.u32 $0x1, s3  }
.Ltmp0:
0x9: {  	s4 =	sshll.u32 s1, $0xA;
	_ =	strace $0x80000047;
	(pc) =	sbr.rel .LBB2_1-.Ltmp0, $4  }
0xa: {  	s7 =	ssub.s32 $0x2, s3;
	s8 =	sshll.u32 s3, $0x9;
	s3 =	sadd.s32 $0x600, s5  }
0xb: {  	s5 =	sadd.s32 $0xF42A00, s5;
	s9 =	sshrl.u32 s7, $0x1;
	s4 =	sor.u32 s8, s4  }
0xc: {  	s7 =	ssub.s32 s7, s9;
	s8 =	sshll.u32 s4, $0x2;
	s9 =	simm.s32 $0xC8  }
0xd: {  	s6 =	sadd.s32 s6, s8;
	s7 =	smax.u32 s7, $0x1;
	s8 =	simm.s32 $0x5  }
.LBB2_14:
0xe: {  	s20 =	sadd.s32 $0x1, s20  }
0xf: {  	p0 =	sne.s32 s20, s7  }
.Ltmp1:
0x10: {  	_ = 	snop;
	(pc) =	sbr.rel @!p0 .LBB2_15-.Ltmp1, $4  }
0x11: {  	[hbm4b:s6+s2] =	stream.linear.scatter [tilespmem:s19], [sflag:$0x5], $0x4000, $0x38;
	[tilespmem:$0x10800] =	vst v63  }
0x12: {  	_ =	swait.ge [sflag:s8], $0x4000  }
0x13: {  	[sflag:s8] =	ssyncset.done $0x0  }
0x14: {  	[sflag:s8] =	ssyncadd.s32 $0xFFFFC000  }
.LBB2_1:
.Ltmp2:
0x15: {  	(pc) =	sbr.rel .LBB2_2-.Ltmp2, $2  }
0x16: {  	_ =	sdelay $0x2  }
0x17: {  	s21 =	simm.s32 $0x0  }
.LBB2_13:
0x18: {  	s21 =	sadd.s32 $0x1, s21  }
0x19: {  	p0 =	sne.s32 s21, $0x4  }
.Ltmp3:
0x1a: {  	_ = 	snop;
	(pc) =	sbr.rel @!p0 .LBB2_14-.Ltmp3, $1  }
0x1b: {  	_ =	sdelay $0x3  }
.LBB2_2:
0x1c: {  	s22 =	sshll.u32 s21, $0x7  }
0x1d: {  	s23 =	sadd.s32 s4, s22  }
0x1e: {  	s23 =	smul.u32 $0x19, s23;
	_ =	sdelay $0x1  }
0x1f: {  	s24 =	sadd.s32 s3, s23;
	s23 =	simm.s32 $0x0  }
0x20: {  	[tilespmem:s23], [sflag:$0x5] =	stream.linear.gather [hbm4b:s24+s23], $0x6400, $0x38;
	[tilespmem:$0x10800] =	vst v63  }
0x21: {  	_ =	swait.ge [sflag:s8], $0x6400  }
0x22: {  	[sflag:s8] =	ssyncset.done $0x0  }
0x23: {  	[sflag:s8] =	ssyncadd.s32 $0xFFFF9C00  }
0x24: {  	[tilespmem:s10], [sflag:$0x1] =	stream.indirect.gather [hbm4b:s5+s9], $0x20, s23, s9, $0xb8;
	[tilespmem:$0x10800] =	vst v63  }
0x25: {  	_ = 	snop  }
0x26: {  	[tilespmem:s11], [sflag:$0x2] =	stream.indirect.gather [hbm4b:s5+s9], $0x20, s9, s9, $0xb8;
	[tilespmem:$0x10800] =	vst v63  }
0x27: {  	_ = 	snop  }
0x28: {  	[tilespmem:s13], [sflag:$0x3] =	stream.indirect.gather [hbm4b:s5+s9], $0x20, s12, s9, $0xb8;
	[tilespmem:$0x10800] =	vst v63  }
.LBB2_3:
0x29: {  	_ =	swait.ge [sflag:s14], $0x1900  }
0x2a: {  	[sflag:s14] =	ssyncset.done $0x0  }
0x2b: {  	s25 =	simm.s32 $0x0;
	[sflag:s14] =	ssyncadd.s32 $0xFFFFE700  }
0x2c: {  	v0 =	vld [tilespmem:s25+$0x6410]  }
0x2d: {  	v1 =	vld [tilespmem:s25+$0x6430]  }
0x2e: {  	v2 =	vld [tilespmem:s25+$0x6450]  }
0x2f: {  	v3 =	vld [tilespmem:s25+$0x6470]  }
0x30: {  	v4 =	vld [tilespmem:s25+$0x6490]  }
0x31: {  	v5 =	vld [tilespmem:s25+$0x64B0]  }
0x32: {  	v6 =	vld [tilespmem:s25+$0x64D0]  }
0x33: {  	v7 =	vld [tilespmem:s25+$0x64F0]  }
0x34: {  	v8 =	vld [tilespmem:s25+$0x6400]  }
0x35: {  	v9 =	vld [tilespmem:s25+$0x6420]  }
0x36: {  	v10 =	vld [tilespmem:s25+$0x6440]  }
0x37: {  	v11 =	vld [tilespmem:s25+$0x6460]  }
0x38: {  	v12 =	vld [tilespmem:s25+$0x6480]  }
0x39: {  	v13 =	vld [tilespmem:s25+$0x64A0]  }
0x3a: {  	v14 =	vld [tilespmem:s25+$0x64C0];
	v0 =	vadd.f32 v1, v0;
	v1 =	vadd.f32 v3, v2  }
0x3b: {  	s24 =	simm.s32 $0x100;
	v3 =	vadd.f32 v5, v4;
	v4 =	vadd.f32 v7, v6;
	v7 =	vld [tilespmem:s25+$0x64E0]  }
0x3c: {  	v2 =	vld [tilespmem:s24+$0x6410]  }
0x3d: {  	v8 =	vadd.f32 v9, v8;
	v6 =	vld [tilespmem:s24+$0x6470]  }
0x3e: {  	v5 =	vld [tilespmem:s24+$0x6490];
	v0 =	vadd.f32 v1, v0;
	v1 =	vadd.f32 v4, v3  }
0x3f: {  	v9 =	vadd.f32 v11, v10;
	v10 =	vadd.f32 v13, v12;
	v3 =	vld [tilespmem:s24+$0x6430]  }
0x40: {  	v4 =	vld [tilespmem:s24+$0x6450];
	v0 =	vadd.f32 v1, v0;
	v11 =	vadd.f32 v7, v14  }
0x41: {  	v9 =	vadd.f32 v9, v8;
	v8 =	vld [tilespmem:s24+$0x64D0];
	v1 =	vimm.f32 $0.0e+00  }
0x42: {  	s25 =	simm.s32 $0x800;
	v7 =	vld [tilespmem:s24+$0x64B0];
	v0 =	vadd.f32 v0, v1;
	v10 =	vadd.f32 v11, v10  }
.LBB2_4:
0x43: {  	p0 =	sne.s32 s25, $0x6000;
	v11 =	vld [tilespmem:s24+$0x64F0]  }
0x44: {  	v12 =	vld [tilespmem:s24+$0x6400];
	v9 =	vadd.f32 v10, v9  }
0x45: {  	v10 =	vld [tilespmem:s24+$0x6420]  }
0x46: {  	v13 =	vld [tilespmem:s24+$0x6440];
	v1 =	vadd.f32 v9, v1  }
0x47: {  	v2 =	vadd.f32 v3, v2;
	v3 =	vadd.f32 v6, v4;
	v9 =	vld [tilespmem:s24+$0x6460]  }
0x48: {  	v4 =	vadd.f32 v7, v5;
	v6 =	vld [tilespmem:s24+$0x6480];
	v5 =	vadd.f32 v11, v8  }
0x49: {  	v7 =	vld [tilespmem:s24+$0x64A0]  }
0x4a: {  	v3 =	vadd.f32 v3, v2;
	v8 =	vld [tilespmem:s24+$0x64C0];
	v4 =	vadd.f32 v5, v4  }
0x4b: {  	v5 =	vadd.f32 v10, v12;
	v11 =	vld [tilespmem:s24+$0x64E0];
	s24 =	sshra.s32 s25, $0x2  }
0x4c: {  	v2 =	vld [tilespmem:s24+$0x6410];
	v9 =	vadd.f32 v9, v13;
	v10 =	vadd.f32 v4, v3  }
0x4d: {  	v3 =	vld [tilespmem:s24+$0x6430]  }
.Ltmp4:
0x4e: {  	v4 =	vld [tilespmem:s24+$0x6450];
	v12 =	vadd.f32 v7, v6;
	v0 =	vadd.f32 v10, v0;
	(pc) =	sbr.rel @p0 .LBB2_4-.Ltmp4, $4  }
0x4f: {  	v9 =	vadd.f32 v9, v5;
	v6 =	vld [tilespmem:s24+$0x6470]  }
0x50: {  	v5 =	vld [tilespmem:s24+$0x6490];
	v10 =	vadd.f32 v11, v8  }
0x51: {  	v7 =	vld [tilespmem:s24+$0x64B0]  }
0x52: {  	s25 =	sadd.s32 $0x400, s25;
	v8 =	vld [tilespmem:s24+$0x64D0];
	v10 =	vadd.f32 v10, v12  }
0x53: {  	v11 =	vld [tilespmem:s24+$0x6400]  }
0x54: {  	v12 =	vld [tilespmem:s24+$0x6420]  }
0x55: {  	v13 =	vld [tilespmem:s24+$0x6440]  }
0x56: {  	v14 =	vld [tilespmem:s24+$0x6460]  }
0x57: {  	v15 =	vld [tilespmem:s24+$0x6480]  }
0x58: {  	v16 =	vld [tilespmem:s24+$0x64A0]  }
0x59: {  	v17 =	vld [tilespmem:s24+$0x64C0]  }
0x5a: {  	v18 =	vld [tilespmem:s24+$0x64E0]  }
0x5b: {  	v19 =	vld [tilespmem:s24+$0x64F0]  }
0x5c: {  	v2 =	vadd.f32 v3, v2  }
0x5d: {  	v9 =	vadd.f32 v10, v9;
	v3 =	vadd.f32 v6, v4  }
0x5e: {  	v4 =	vadd.f32 v12, v11;
	v6 =	vadd.f32 v14, v13  }
0x5f: {  	v10 =	vadd.f32 v16, v15;
	v11 =	vadd.f32 v18, v17  }
0x60: {  	v5 =	vadd.f32 v7, v5;
	v7 =	vadd.f32 v19, v8  }
0x61: {  	v4 =	vadd.f32 v6, v4;
	v6 =	vadd.f32 v11, v10  }
0x62: {  	v2 =	vadd.f32 v3, v2;
	v3 =	vadd.f32 v7, v5  }
0x63: {  	v1 =	vadd.f32 v9, v1;
	v4 =	vadd.f32 v6, v4  }
0x64: {  	v2 =	vadd.f32 v3, v2  }
0x65: {  	s25 =	sshll.u32 s23, $0x2;
	v1 =	vadd.f32 v4, v1  }
0x66: {  	s30 =	sadd.s32 s22, s25;
	v0 =	vadd.f32 v2, v0  }
0x67: {  	s24 =	sshllo.u32 s23, $0x2;
	s26 =	sshll.u32 s30, $0x5;
	v1 =	vmul.f32 $4.999999890e-03, v1  }
0x68: {  	s28 =	smul.u32 $0x320, s24;
	s26 =	sand.u32 $0x3FFFFFE0, s26;
	v0 =	vmul.f32 $4.999999890e-03, v0  }
0x69: {  	[tilespmem:s26+$0xC800] =	vst v1  }
0x6a: {  	s31 =	sshra.s32 s28, $0x2;
	[tilespmem:s26+$0xC810] =	vst v0  }
0x6b: {  	[tilespmem:s15], [sflag:$0x4] =	stream.indirect.gather [hbm4b:s5+s9], $0x20, s31, s9, $0xb8;
	[tilespmem:$0x10800] =	vst v63  }
0x6c: {  	_ =	swait.ge [sflag:s16], $0x1900  }
0x6d: {  	[sflag:s16] =	ssyncset.done $0x0  }
0x6e: {  	s28 =	simm.s32 $0x0;
	[sflag:s16] =	ssyncadd.s32 $0xFFFFE700  }
0x6f: {  	v0 =	vld [tilespmem:s28+$0x7D10]  }
0x70: {  	v1 =	vld [tilespmem:s28+$0x7D30]  }
0x71: {  	v2 =	vld [tilespmem:s28+$0x7D50]  }
0x72: {  	v3 =	vld [tilespmem:s28+$0x7D70]  }
0x73: {  	v4 =	vld [tilespmem:s28+$0x7D90]  }
0x74: {  	v5 =	vld [tilespmem:s28+$0x7DB0]  }
0x75: {  	v6 =	vld [tilespmem:s28+$0x7DD0]  }
0x76: {  	v7 =	vld [tilespmem:s28+$0x7DF0]  }
0x77: {  	v8 =	vld [tilespmem:s28+$0x7D00]  }
0x78: {  	v9 =	vld [tilespmem:s28+$0x7D20]  }
0x79: {  	v10 =	vld [tilespmem:s28+$0x7D40]  }
0x7a: {  	v11 =	vld [tilespmem:s28+$0x7D60]  }
0x7b: {  	v61 =	vld [tilespmem:s28+$0x7D80]  }
0x7c: {  	v62 =	vld [tilespmem:s28+$0x7DA0]  }
0x7d: {  	v63 =	vld [tilespmem:s28+$0x7DC0];
	v0 =	vadd.f32 v1, v0;
	v1 =	vadd.f32 v3, v2  }
0x7e: {  	s26 =	simm.s32 $0x100;
	v3 =	vadd.f32 v5, v4;
	v4 =	vadd.f32 v7, v6;
	v7 =	vld [tilespmem:s28+$0x7DE0]  }
0x7f: {  	v2 =	vld [tilespmem:s26+$0x7D10]  }
0x80: {  	v8 =	vadd.f32 v9, v8;
	v6 =	vld [tilespmem:s26+$0x7D70]  }
0x81: {  	v5 =	vld [tilespmem:s26+$0x7D90];
	v0 =	vadd.f32 v1, v0;
	v1 =	vadd.f32 v4, v3  }
0x82: {  	v9 =	vadd.f32 v11, v10;
	v10 =	vadd.f32 v62, v61;
	v3 =	vld [tilespmem:s26+$0x7D30]  }
0x83: {  	v4 =	vld [tilespmem:s26+$0x7D50];
	v0 =	vadd.f32 v1, v0;
	v11 =	vadd.f32 v7, v63  }
0x84: {  	v9 =	vadd.f32 v9, v8;
	v8 =	vld [tilespmem:s26+$0x7DD0];
	v1 =	vimm.f32 $0.0e+00  }
0x85: {  	s28 =	simm.s32 $0x800;
	v7 =	vld [tilespmem:s26+$0x7DB0];
	v0 =	vadd.f32 v0, v1;
	v10 =	vadd.f32 v11, v10  }
.LBB2_6:
0x86: {  	p0 =	sne.s32 s28, $0x6000;
	v11 =	vld [tilespmem:s26+$0x7DF0]  }
0x87: {  	v12 =	vld [tilespmem:s26+$0x7D00];
	v9 =	vadd.f32 v10, v9  }
0x88: {  	v10 =	vld [tilespmem:s26+$0x7D20]  }
0x89: {  	v13 =	vld [tilespmem:s26+$0x7D40];
	v1 =	vadd.f32 v9, v1  }
0x8a: {  	v2 =	vadd.f32 v3, v2;
	v3 =	vadd.f32 v6, v4;
	v9 =	vld [tilespmem:s26+$0x7D60]  }
0x8b: {  	v4 =	vadd.f32 v7, v5;
	v6 =	vld [tilespmem:s26+$0x7D80];
	v5 =	vadd.f32 v11, v8  }
0x8c: {  	v7 =	vld [tilespmem:s26+$0x7DA0]  }
0x8d: {  	v3 =	vadd.f32 v3, v2;
	v8 =	vld [tilespmem:s26+$0x7DC0];
	v4 =	vadd.f32 v5, v4  }
0x8e: {  	v5 =	vadd.f32 v10, v12;
	v11 =	vld [tilespmem:s26+$0x7DE0];
	s26 =	sshra.s32 s28, $0x2  }
0x8f: {  	v2 =	vld [tilespmem:s26+$0x7D10];
	v9 =	vadd.f32 v9, v13;
	v10 =	vadd.f32 v4, v3  }
0x90: {  	v3 =	vld [tilespmem:s26+$0x7D30]  }
.Ltmp5:
0x91: {  	v4 =	vld [tilespmem:s26+$0x7D50];
	v12 =	vadd.f32 v7, v6;
	v0 =	vadd.f32 v10, v0;
	(pc) =	sbr.rel @p0 .LBB2_6-.Ltmp5, $4  }
0x92: {  	v9 =	vadd.f32 v9, v5;
	v6 =	vld [tilespmem:s26+$0x7D70]  }
0x93: {  	v5 =	vld [tilespmem:s26+$0x7D90];
	v10 =	vadd.f32 v11, v8  }
0x94: {  	v7 =	vld [tilespmem:s26+$0x7DB0]  }
0x95: {  	s28 =	sadd.s32 $0x400, s28;
	v8 =	vld [tilespmem:s26+$0x7DD0];
	v10 =	vadd.f32 v10, v12  }
0x96: {  	v11 =	vld [tilespmem:s26+$0x7D00]  }
0x97: {  	v12 =	vld [tilespmem:s26+$0x7D20]  }
0x98: {  	v13 =	vld [tilespmem:s26+$0x7D40]  }
0x99: {  	v14 =	vld [tilespmem:s26+$0x7D60]  }
0x9a: {  	v15 =	vld [tilespmem:s26+$0x7D80]  }
0x9b: {  	v16 =	vld [tilespmem:s26+$0x7DA0]  }
0x9c: {  	v17 =	vld [tilespmem:s26+$0x7DC0]  }
0x9d: {  	v18 =	vld [tilespmem:s26+$0x7DE0]  }
0x9e: {  	v19 =	vld [tilespmem:s26+$0x7DF0]  }
0x9f: {  	v2 =	vadd.f32 v3, v2  }
0xa0: {  	v9 =	vadd.f32 v10, v9;
	v3 =	vadd.f32 v6, v4  }
0xa1: {  	v4 =	vadd.f32 v12, v11;
	v6 =	vadd.f32 v14, v13  }
0xa2: {  	v10 =	vadd.f32 v16, v15;
	v11 =	vadd.f32 v18, v17  }
0xa3: {  	v5 =	vadd.f32 v7, v5;
	v7 =	vadd.f32 v19, v8  }
0xa4: {  	v4 =	vadd.f32 v6, v4;
	v6 =	vadd.f32 v11, v10  }
0xa5: {  	v2 =	vadd.f32 v3, v2;
	v3 =	vadd.f32 v7, v5  }
0xa6: {  	v1 =	vadd.f32 v9, v1;
	v4 =	vadd.f32 v6, v4  }
0xa7: {  	v2 =	vadd.f32 v3, v2  }
0xa8: {  	s25 =	sadd.s32 s25, s22;
	v1 =	vadd.f32 v4, v1  }
0xa9: {  	p0 =	seq.s32 s23, $0x1F;
	s25 =	sshll.u32 s25, $0x5;
	v0 =	vadd.f32 v2, v0  }
0xaa: {  	s28 =	smul.u32 @!p0 $0xC80, s23;
	s31 =	sadd.s32 $0x20, s25;
	v1 =	vmul.f32 $4.999999890e-03, v1  }
0xab: {  	s29 =	sand.u32 $0x3FFFFFE0, s31;
	v0 =	vmul.f32 $4.999999890e-03, v0  }
0xac: {  	s26 =	sshra.s32 @!p0 s28, $0x2;
	[tilespmem:s29+$0xC800] =	vst v1  }
0xad: {  	s30 =	simm.s32 @!p0 $0x6400;
	s28 =	sadd.s32 @!p0 $0x320, s26;
	[tilespmem:s29+$0xC810] =	vst v0;
	s29 =	simm.s32 @!p0 $0xC8  }
0xae: {  	[tilespmem:s30], [sflag:$0x1] =	stream.indirect.gather @!p0 [hbm4b:s5+s29], $0x20, s28, s29, $0xb8;
	[tilespmem:$0x10800] =	vst v63  }
0xaf: {  	_ =	swait.ge [sflag:s17], $0x1900  }
0xb0: {  	[sflag:s17] =	ssyncset.done $0x0  }
0xb1: {  	s29 =	simm.s32 $0x0;
	[sflag:s17] =	ssyncadd.s32 $0xFFFFE700  }
0xb2: {  	v0 =	vld [tilespmem:s29+$0x9610]  }
0xb3: {  	v1 =	vld [tilespmem:s29+$0x9630]  }
0xb4: {  	v2 =	vld [tilespmem:s29+$0x9650]  }
0xb5: {  	v3 =	vld [tilespmem:s29+$0x9670]  }
0xb6: {  	v4 =	vld [tilespmem:s29+$0x9690]  }
0xb7: {  	v5 =	vld [tilespmem:s29+$0x96B0]  }
0xb8: {  	v6 =	vld [tilespmem:s29+$0x96D0]  }
0xb9: {  	v7 =	vld [tilespmem:s29+$0x96F0]  }
0xba: {  	v8 =	vld [tilespmem:s29+$0x9600]  }
0xbb: {  	v9 =	vld [tilespmem:s29+$0x9620]  }
0xbc: {  	v10 =	vld [tilespmem:s29+$0x9640]  }
0xbd: {  	v11 =	vld [tilespmem:s29+$0x9660]  }
0xbe: {  	v61 =	vld [tilespmem:s29+$0x9680]  }
0xbf: {  	v62 =	vld [tilespmem:s29+$0x96A0]  }
0xc0: {  	v63 =	vld [tilespmem:s29+$0x96C0];
	v0 =	vadd.f32 v1, v0;
	v1 =	vadd.f32 v3, v2  }
0xc1: {  	s28 =	simm.s32 $0x100;
	v3 =	vadd.f32 v5, v4;
	v4 =	vadd.f32 v7, v6;
	v7 =	vld [tilespmem:s29+$0x96E0]  }
0xc2: {  	v2 =	vld [tilespmem:s28+$0x9610]  }
0xc3: {  	v8 =	vadd.f32 v9, v8;
	v6 =	vld [tilespmem:s28+$0x9670]  }
0xc4: {  	v5 =	vld [tilespmem:s28+$0x9690];
	v0 =	vadd.f32 v1, v0;
	v1 =	vadd.f32 v4, v3  }
0xc5: {  	v9 =	vadd.f32 v11, v10;
	v10 =	vadd.f32 v62, v61;
	v3 =	vld [tilespmem:s28+$0x9630]  }
0xc6: {  	v4 =	vld [tilespmem:s28+$0x9650];
	v1 =	vadd.f32 v1, v0;
	v11 =	vadd.f32 v7, v63  }
0xc7: {  	v9 =	vadd.f32 v9, v8;
	v8 =	vld [tilespmem:s28+$0x96D0];
	v0 =	vimm.f32 $0.0e+00  }
0xc8: {  	s29 =	simm.s32 $0x800;
	v7 =	vld [tilespmem:s28+$0x96B0];
	v1 =	vadd.f32 v1, v0;
	v10 =	vadd.f32 v11, v10  }
.LBB2_8:
0xc9: {  	p1 =	sne.s32 s29, $0x6000;
	v11 =	vld [tilespmem:s28+$0x96F0]  }
0xca: {  	v12 =	vld [tilespmem:s28+$0x9600];
	v9 =	vadd.f32 v10, v9  }
0xcb: {  	v10 =	vld [tilespmem:s28+$0x9620]  }
0xcc: {  	v13 =	vld [tilespmem:s28+$0x9640];
	v0 =	vadd.f32 v9, v0  }
0xcd: {  	v2 =	vadd.f32 v3, v2;
	v3 =	vadd.f32 v6, v4;
	v9 =	vld [tilespmem:s28+$0x9660]  }
0xce: {  	v4 =	vadd.f32 v7, v5;
	v6 =	vld [tilespmem:s28+$0x9680];
	v5 =	vadd.f32 v11, v8  }
0xcf: {  	v7 =	vld [tilespmem:s28+$0x96A0]  }
0xd0: {  	v3 =	vadd.f32 v3, v2;
	v8 =	vld [tilespmem:s28+$0x96C0];
	v4 =	vadd.f32 v5, v4  }
0xd1: {  	v5 =	vadd.f32 v10, v12;
	v11 =	vld [tilespmem:s28+$0x96E0];
	s28 =	sshra.s32 s29, $0x2  }
0xd2: {  	v2 =	vld [tilespmem:s28+$0x9610];
	v9 =	vadd.f32 v9, v13;
	v10 =	vadd.f32 v4, v3  }
0xd3: {  	v3 =	vld [tilespmem:s28+$0x9630]  }
.Ltmp6:
0xd4: {  	v4 =	vld [tilespmem:s28+$0x9650];
	v12 =	vadd.f32 v7, v6;
	v1 =	vadd.f32 v10, v1;
	(pc) =	sbr.rel @p1 .LBB2_8-.Ltmp6, $4  }
0xd5: {  	v9 =	vadd.f32 v9, v5;
	v6 =	vld [tilespmem:s28+$0x9670]  }
0xd6: {  	v5 =	vld [tilespmem:s28+$0x9690];
	v10 =	vadd.f32 v11, v8  }
0xd7: {  	v7 =	vld [tilespmem:s28+$0x96B0]  }
0xd8: {  	s29 =	sadd.s32 $0x400, s29;
	v8 =	vld [tilespmem:s28+$0x96D0];
	v10 =	vadd.f32 v10, v12  }
0xd9: {  	v11 =	vld [tilespmem:s28+$0x9600]  }
0xda: {  	v12 =	vld [tilespmem:s28+$0x9620]  }
0xdb: {  	v13 =	vld [tilespmem:s28+$0x9640]  }
0xdc: {  	v14 =	vld [tilespmem:s28+$0x9660]  }
0xdd: {  	v15 =	vld [tilespmem:s28+$0x9680]  }
0xde: {  	v16 =	vld [tilespmem:s28+$0x96A0]  }
0xdf: {  	v17 =	vld [tilespmem:s28+$0x96C0]  }
0xe0: {  	v18 =	vld [tilespmem:s28+$0x96E0]  }
0xe1: {  	v19 =	vld [tilespmem:s28+$0x96F0]  }
0xe2: {  	v2 =	vadd.f32 v3, v2  }
0xe3: {  	v9 =	vadd.f32 v10, v9;
	v3 =	vadd.f32 v6, v4  }
0xe4: {  	v4 =	vadd.f32 v12, v11;
	v6 =	vadd.f32 v14, v13  }
0xe5: {  	v10 =	vadd.f32 v16, v15;
	v11 =	vadd.f32 v18, v17  }
0xe6: {  	v5 =	vadd.f32 v7, v5;
	v7 =	vadd.f32 v19, v8  }
0xe7: {  	v4 =	vadd.f32 v6, v4;
	v6 =	vadd.f32 v11, v10  }
0xe8: {  	v2 =	vadd.f32 v3, v2;
	v3 =	vadd.f32 v7, v5  }
0xe9: {  	v0 =	vadd.f32 v9, v0;
	v4 =	vadd.f32 v6, v4  }
0xea: {  	v2 =	vadd.f32 v3, v2  }
0xeb: {  	v0 =	vadd.f32 v4, v0  }
0xec: {  	v1 =	vadd.f32 v2, v1  }
0xed: {  	s25 =	sadd.s32 $0x40, s25;
	v0 =	vmul.f32 $4.999999890e-03, v0  }
0xee: {  	s25 =	sand.u32 $0x3FFFFFE0, s25;
	v1 =	vmul.f32 $4.999999890e-03, v1  }
0xef: {  	[tilespmem:s25+$0xC800] =	vst v0  }
0xf0: {  	s28 =	simm.s32 @!p0 $0x7D00;
	[tilespmem:s25+$0xC810] =	vst v1;
	s25 =	sadd.s32 @!p0 $0x3E8, s26;
	s26 =	simm.s32 @!p0 $0xC8  }
0xf1: {  	[tilespmem:s28], [sflag:$0x2] =	stream.indirect.gather @!p0 [hbm4b:s5+s26], $0x20, s25, s26, $0xb8;
	[tilespmem:$0x10800] =	vst v63  }
0xf2: {  	_ =	swait.ge [sflag:s18], $0x1900  }
0xf3: {  	[sflag:s18] =	ssyncset.done $0x0  }
0xf4: {  	s31 =	simm.s32 $0x0;
	[sflag:s18] =	ssyncadd.s32 $0xFFFFE700  }
0xf5: {  	v0 =	vld [tilespmem:s31+$0xAF10]  }
0xf6: {  	v1 =	vld [tilespmem:s31+$0xAF30]  }
0xf7: {  	v2 =	vld [tilespmem:s31+$0xAF50]  }
0xf8: {  	v3 =	vld [tilespmem:s31+$0xAF70]  }
0xf9: {  	v4 =	vld [tilespmem:s31+$0xAF90]  }
0xfa: {  	v5 =	vld [tilespmem:s31+$0xAFB0]  }
0xfb: {  	v6 =	vld [tilespmem:s31+$0xAFD0]  }
0xfc: {  	v7 =	vld [tilespmem:s31+$0xAFF0]  }
0xfd: {  	v8 =	vld [tilespmem:s31+$0xAF00]  }
0xfe: {  	v9 =	vld [tilespmem:s31+$0xAF20]  }
0xff: {  	v10 =	vld [tilespmem:s31+$0xAF40]  }
0x100: {  	v11 =	vld [tilespmem:s31+$0xAF60]  }
0x101: {  	v61 =	vld [tilespmem:s31+$0xAF80]  }
0x102: {  	v62 =	vld [tilespmem:s31+$0xAFA0]  }
0x103: {  	v63 =	vld [tilespmem:s31+$0xAFC0];
	v0 =	vadd.f32 v1, v0;
	v1 =	vadd.f32 v3, v2  }
0x104: {  	s25 =	simm.s32 $0x100;
	v3 =	vadd.f32 v5, v4;
	v4 =	vadd.f32 v7, v6;
	v7 =	vld [tilespmem:s31+$0xAFE0]  }
0x105: {  	v2 =	vld [tilespmem:s25+$0xAF10]  }
0x106: {  	v8 =	vadd.f32 v9, v8;
	v6 =	vld [tilespmem:s25+$0xAF70]  }
0x107: {  	v5 =	vld [tilespmem:s25+$0xAF90];
	v0 =	vadd.f32 v1, v0;
	v1 =	vadd.f32 v4, v3  }
0x108: {  	v9 =	vadd.f32 v11, v10;
	v10 =	vadd.f32 v62, v61;
	v3 =	vld [tilespmem:s25+$0xAF30]  }
0x109: {  	v4 =	vld [tilespmem:s25+$0xAF50];
	v1 =	vadd.f32 v1, v0;
	v11 =	vadd.f32 v7, v63  }
0x10a: {  	v9 =	vadd.f32 v9, v8;
	v8 =	vld [tilespmem:s25+$0xAFD0];
	v0 =	vimm.f32 $0.0e+00  }
0x10b: {  	s26 =	simm.s32 $0x800;
	v7 =	vld [tilespmem:s25+$0xAFB0];
	v1 =	vadd.f32 v1, v0;
	v10 =	vadd.f32 v11, v10  }
.LBB2_10:
0x10c: {  	p1 =	sne.s32 s26, $0x6000;
	v11 =	vld [tilespmem:s25+$0xAFF0]  }
0x10d: {  	v12 =	vld [tilespmem:s25+$0xAF00];
	v9 =	vadd.f32 v10, v9  }
0x10e: {  	v10 =	vld [tilespmem:s25+$0xAF20]  }
0x10f: {  	v13 =	vld [tilespmem:s25+$0xAF40];
	v0 =	vadd.f32 v9, v0  }
0x110: {  	v2 =	vadd.f32 v3, v2;
	v3 =	vadd.f32 v6, v4;
	v9 =	vld [tilespmem:s25+$0xAF60]  }
0x111: {  	v4 =	vadd.f32 v7, v5;
	v6 =	vld [tilespmem:s25+$0xAF80];
	v5 =	vadd.f32 v11, v8  }
0x112: {  	v7 =	vld [tilespmem:s25+$0xAFA0]  }
0x113: {  	v3 =	vadd.f32 v3, v2;
	v8 =	vld [tilespmem:s25+$0xAFC0];
	v4 =	vadd.f32 v5, v4  }
0x114: {  	v5 =	vadd.f32 v10, v12;
	v11 =	vld [tilespmem:s25+$0xAFE0];
	s25 =	sshra.s32 s26, $0x2  }
0x115: {  	v2 =	vld [tilespmem:s25+$0xAF10];
	v9 =	vadd.f32 v9, v13;
	v10 =	vadd.f32 v4, v3  }
0x116: {  	v3 =	vld [tilespmem:s25+$0xAF30]  }
.Ltmp7:
0x117: {  	v4 =	vld [tilespmem:s25+$0xAF50];
	v12 =	vadd.f32 v7, v6;
	v1 =	vadd.f32 v10, v1;
	(pc) =	sbr.rel @p1 .LBB2_10-.Ltmp7, $4  }
0x118: {  	v9 =	vadd.f32 v9, v5;
	v6 =	vld [tilespmem:s25+$0xAF70]  }
0x119: {  	v5 =	vld [tilespmem:s25+$0xAF90];
	v10 =	vadd.f32 v11, v8  }
0x11a: {  	v7 =	vld [tilespmem:s25+$0xAFB0]  }
0x11b: {  	s26 =	sadd.s32 $0x400, s26;
	v8 =	vld [tilespmem:s25+$0xAFD0];
	v10 =	vadd.f32 v10, v12  }
0x11c: {  	v11 =	vld [tilespmem:s25+$0xAF00]  }
0x11d: {  	v12 =	vld [tilespmem:s25+$0xAF20]  }
0x11e: {  	v13 =	vld [tilespmem:s25+$0xAF40]  }
0x11f: {  	v14 =	vld [tilespmem:s25+$0xAF60]  }
0x120: {  	v15 =	vld [tilespmem:s25+$0xAF80]  }
0x121: {  	v16 =	vld [tilespmem:s25+$0xAFA0]  }
0x122: {  	v17 =	vld [tilespmem:s25+$0xAFC0]  }
0x123: {  	v18 =	vld [tilespmem:s25+$0xAFE0]  }
0x124: {  	v19 =	vld [tilespmem:s25+$0xAFF0]  }
0x125: {  	v2 =	vadd.f32 v3, v2  }
0x126: {  	v9 =	vadd.f32 v10, v9;
	v56 =	vadd.f32 v6, v4  }
0x127: {  	v57 =	vadd.f32 v12, v11;
	v58 =	vadd.f32 v14, v13  }
0x128: {  	v59 =	vadd.f32 v16, v15;
	v60 =	vadd.f32 v18, v17  }
0x129: {  	v5 =	vadd.f32 v7, v5;
	v61 =	vadd.f32 v19, v8  }
0x12a: {  	v4 =	vadd.f32 v58, v57;
	v62 =	vadd.f32 v60, v59  }
0x12b: {  	v2 =	vadd.f32 v56, v2;
	v63 =	vadd.f32 v61, v5  }
0x12c: {  	v0 =	vadd.f32 v9, v0;
	v4 =	vadd.f32 v62, v4  }
0x12d: {  	v2 =	vadd.f32 v63, v2  }
0x12e: {  	v0 =	vadd.f32 v4, v0  }
.Ltmp8:
0x12f: {  	s24 =	sadd.s32 s22, s24;
	v1 =	vadd.f32 v2, v1;
	(pc) =	sbr.rel @p0 .LBB2_13-.Ltmp8, $4  }
0x130: {  	s24 =	sshll.u32 s24, $0x5;
	v0 =	vmul.f32 $4.999999890e-03, v0  }
0x131: {  	s24 =	sand.u32 $0x3FFFFFE0, s24;
	v1 =	vmul.f32 $4.999999890e-03, v1  }
0x132: {  	[tilespmem:s24+$0xC800] =	vst v0  }
0x133: {  	[tilespmem:s24+$0xC810] =	vst v1  }
0x134: {  	s24 =	smul.u32 $0xC80, s23  }
.Ltmp9:
0x135: {  	_ = 	snop;
	(pc) =	sbr.rel .LBB2_3-.Ltmp9, $4  }
0x136: {  	_ = 	snop  }
0x137: {  	s24 =	sshra.s32 s24, $0x2  }
0x138: {  	s23 =	sadd.s32 $0x1, s23;
	s24 =	sadd.s32 $0x4B0, s24  }
0x139: {  	[tilespmem:s13], [sflag:$0x3] =	stream.indirect.gather [hbm4b:s5+s9], $0x20, s24, s9, $0xb8;
	[tilespmem:$0x10800] =	vst v63  }
.LBB2_15:
0x13a: {  	_ =	sfence.sel $0x180000  }
0x13b: {  	[bflag:$0x0] =	sbarrier.arrive $0xFFFF  }
0x13c: {  	p0 =	sne.s32 s1, $0x0;
	_ =	strace $0x90000047  }
0x13d: {  	s0 =	sadd.s32 @!p0 $0x100000, s0;
	[bflag:$0x2] =	sbarrier.arrive $0xFFFF  }
0x13e: {  	[sflag:s0] =	ssyncadd.tile.s32 @!p0 $0x1;
	_ =	shalt  }
.Lfunc_end2:
_tile_overlayer_lowered:
.L_overlay_start_2:
0x13f: {  	(tag) =	ssettag $0x2  }
0x140: {  	s0 =	rddreg [dreg:$0x0];
	s2 =	stileid.u32  }
0x141: {  	s1 =	rddreg [dreg:$0x1];
	p0 =	sne.s32 s2, $0x0  }
0x142: {  	s3 =	rddreg [dreg:$0x2];
	[bflag:$0x3] =	sbarrier.arrive $0xFFFF;
	s2 =	simm.s32 @!p0 $0x1C05  }
0x143: {  	[timem:s3], [sflag:s2] =	dma.local @!p0 [hbm:s0], s1  }
0x144: {  	s0 =	simm.s32 @!p0 $0x5  }
0x145: {  	_ =	swait.ge @!p0 [sflag:s0], s1  }
0x146: {  	s1 =	ssub.s32 @!p0 $0x0, s1;
	[sflag:s0] =	ssyncset.done @!p0 $0x0  }
0x147: {  	[sflag:s0] =	ssyncadd.s32 @!p0 s1  }
0x148: {  	[bflag:$0x3] =	sbarrier.arrive $0xFFFF  }
0x149: {  	_ =	shalt  }

</sc_bundles>
